<compile_context>
chip_gen: v7x
topology: tpu7x:2x2x1
jax: 0.10.2.dev20260603
libtpu: 0.0.44.dev20260713+nightly
codegen_flags: <defaults>
</compile_context>

<pallas_src>
import dataclasses
import functools

import jax
import jax.numpy as jnp
from jax import lax
from jax.experimental import pallas as pl
from jax.experimental.pallas import tpu as pltpu
from jax.experimental.pallas import tpu_sc as plsc

N_NODES = 5000
D = 256
E = 160000

NC = 2
NS = 16
EPT = E // NS
CHUNK = 80
NCH = EPT // CHUNK
STRIPE = 312
TAIL = N_NODES - NS * STRIPE


def _sc_spmm(user_embedding, item_embedding, edge_user, edge_item,
             edge_weight):
    mesh = plsc.VectorSubcoreMesh(core_axis_name="c", subcore_axis_name="s")

    cp = pltpu.CompilerParams()
    cp = dataclasses.replace(cp, needs_layout_passes=False,
                             use_tc_tiling_on_sc=False)

    @functools.partial(
        pl.kernel,
        compiler_params=cp,
        out_type=jax.ShapeDtypeStruct((NC, N_NODES, D), jnp.float32),
        mesh=mesh,
        scratch_types=[
            pltpu.VMEM((CHUNK,), jnp.int32),
            pltpu.VMEM((CHUNK,), jnp.int32),
            pltpu.VMEM((CHUNK,), jnp.int32),
            pltpu.VMEM((CHUNK,), jnp.int32),
            pltpu.VMEM((CHUNK,), jnp.float32),
            pltpu.VMEM((CHUNK,), jnp.float32),
            pltpu.VMEM((CHUNK, D), jnp.float32),
            pltpu.VMEM((CHUNK, D), jnp.float32),
            pltpu.VMEM_SHARED((N_NODES, D), jnp.float32),
            pltpu.SemaphoreType.DMA,
            pltpu.SemaphoreType.DMA,
        ],
    )
    def k(ue_hbm, ie_hbm, eu_hbm, ei_hbm, w_hbm, out_hbm,
          gi_a, gi_b, si_a, si_b, w_a, w_b, rows_a, rows_b, acc, gsem, esem):
        cid = lax.axis_index("c")
        sid = lax.axis_index("s")

        base = sid * STRIPE

        @pl.when(cid == 0)
        def _():
            pltpu.sync_copy(ue_hbm.at[pl.ds(base, STRIPE)],
                            acc.at[pl.ds(base, STRIPE)])

            @pl.when(sid == 0)
            def _():
                pltpu.sync_copy(ue_hbm.at[pl.ds(NS * STRIPE, TAIL)],
                                acc.at[pl.ds(NS * STRIPE, TAIL)])

        @pl.when(cid == 1)
        def _():
            pltpu.sync_copy(ie_hbm.at[pl.ds(base, STRIPE)],
                            acc.at[pl.ds(base, STRIPE)])

            @pl.when(sid == 0)
            def _():
                pltpu.sync_copy(ie_hbm.at[pl.ds(NS * STRIPE, TAIL)],
                                acc.at[pl.ds(NS * STRIPE, TAIL)])

        plsc.subcore_barrier()

        ebase = sid * EPT

        def scale(rows_v, w_v):
            @pl.loop(0, CHUNK)
            def _(r):
                wspl = plsc.load_gather(w_v, [jnp.full((16,), r, jnp.int32)])
                for f in range(D // 16):
                    sl = (r, pl.ds(f * 16, 16))
                    rows_v.at[*sl][...] = rows_v.at[*sl][...] * wspl

        def stage_meta(j, gi_v, si_v, w_v):
            sl = pl.ds(ebase + j * CHUNK, CHUNK)
            @pl.when(cid == 0)
            def _():
                pltpu.async_copy(ei_hbm.at[sl], gi_v, esem)
                pltpu.async_copy(eu_hbm.at[sl], si_v, esem)

            @pl.when(cid == 1)
            def _():
                pltpu.async_copy(eu_hbm.at[sl], gi_v, esem)
                pltpu.async_copy(ei_hbm.at[sl], si_v, esem)
            pltpu.async_copy(w_hbm.at[sl], w_v, esem)

        def wait_meta(gi_v, si_v, w_v):
            sl = pl.ds(0, CHUNK)
            pltpu.make_async_copy(eu_hbm.at[sl], gi_v, esem).wait()
            pltpu.make_async_copy(eu_hbm.at[sl], si_v, esem).wait()
            pltpu.make_async_copy(w_hbm.at[sl], w_v, esem).wait()

        def gather(gi_v, rows_v):
            @pl.when(cid == 0)
            def _():
                pltpu.async_copy(ie_hbm.at[gi_v], rows_v, gsem)

            @pl.when(cid == 1)
            def _():
                pltpu.async_copy(ue_hbm.at[gi_v], rows_v, gsem)

        def wait_gather(rows_v):
            pltpu.make_async_copy(ie_hbm.at[gi_a], rows_v, gsem).wait()

        def scatter_add(rows_v, si_v):
            pltpu.sync_copy(rows_v, acc.at[si_v], add=True)

        stage_meta(0, gi_a, si_a, w_a)
        stage_meta(1, gi_b, si_b, w_b)
        wait_meta(gi_a, si_a, w_a)
        gather(gi_a, rows_a)
        wait_meta(gi_b, si_b, w_b)

        @pl.loop(0, NCH - 1, step=2)
        def _(j):
            wait_gather(rows_a)
            gather(gi_b, rows_b)
            scale(rows_a, w_a)
            scatter_add(rows_a, si_a)

            @pl.when(j + 2 < NCH)
            def _():
                stage_meta(j + 2, gi_a, si_a, w_a)

            wait_gather(rows_b)

            @pl.when(j + 2 < NCH)
            def _():
                wait_meta(gi_a, si_a, w_a)
                gather(gi_a, rows_a)
            scale(rows_b, w_b)
            scatter_add(rows_b, si_b)

            @pl.when(j + 3 < NCH)
            def _():
                stage_meta(j + 3, gi_b, si_b, w_b)
                wait_meta(gi_b, si_b, w_b)

        wait_gather(rows_a)
        scale(rows_a, w_a)
        scatter_add(rows_a, si_a)

        plsc.subcore_barrier()

        pltpu.sync_copy(acc.at[pl.ds(base, STRIPE)],
                        out_hbm.at[cid, pl.ds(base, STRIPE)])

        @pl.when(sid == 0)
        def _():
            pltpu.sync_copy(acc.at[pl.ds(NS * STRIPE, TAIL)],
                            out_hbm.at[cid, pl.ds(NS * STRIPE, TAIL)])

    return k(user_embedding, item_embedding, edge_user, edge_item,
             edge_weight)


def _tc_dense(parts, u_w, i_w):
    BLK = 1000
    grid = (N_NODES // BLK,)

    def body(pu_ref, pi_ref, uw_ref, iw_ref, ou_ref, oi_ref):
        ou_ref[...] = jax.nn.sigmoid(
            jnp.dot(pu_ref[0], uw_ref[...], preferred_element_type=jnp.float32))
        oi_ref[...] = jax.nn.sigmoid(
            jnp.dot(pi_ref[0], iw_ref[...], preferred_element_type=jnp.float32))

    emb_spec = pl.BlockSpec((BLK, D), lambda i: (i, 0))
    pu_spec = pl.BlockSpec((1, BLK, D), lambda i: (0, i, 0))
    pi_spec = pl.BlockSpec((1, BLK, D), lambda i: (1, i, 0))
    w_spec = pl.BlockSpec((D, D), lambda i: (0, 0))

    return pl.pallas_call(
        body,
        grid=grid,
        in_specs=[pu_spec, pi_spec, w_spec, w_spec],
        out_specs=[emb_spec, emb_spec],
        out_shape=[
            jax.ShapeDtypeStruct((N_NODES, D), jnp.float32),
            jax.ShapeDtypeStruct((N_NODES, D), jnp.float32),
        ],
    )(parts, parts, u_w, i_w)


def kernel(user_embedding, item_embedding, edge_user, edge_item, edge_weight,
           u_w, i_w, ind_beh):
    parts = _sc_spmm(user_embedding, item_embedding,
                     edge_user.astype(jnp.int32), edge_item.astype(jnp.int32),
                     edge_weight)
    u_emb, i_emb = _tc_dense(parts, u_w, i_w)
    return (u_emb, i_emb)

# --- scband reference (transcript-rebuilt; emitter-appended) ---
"""Pipeline reference for scband-gcnlayer-79937931313836 (READ-ONLY COPY).

The authoritative reference and input builder live on the scoring server;
editing this copy changes nothing except your own understanding.
"""

import jax, jax.numpy as jnp
import numpy as np

USER_NUM = 5000
ITEM_NUM = 5000
D = 256
E = 160000

def setup_inputs(seed: int = 0) -> dict:
    key = jax.random.key(seed)
    k1, k2, k3, k4, k5, k6, k7 = jax.random.split(key, 7)
    user_embedding = jax.random.normal(k1, (USER_NUM, D), dtype=jnp.float32)
    item_embedding = jax.random.normal(k2, (ITEM_NUM, D), dtype=jnp.float32)
    edge_user = jax.random.randint(k3, (E,), 0, USER_NUM, dtype=jnp.int64 if jax.config.jax_enable_x64 else jnp.int32)
    edge_item = jax.random.randint(k4, (E,), 0, ITEM_NUM, dtype=jnp.int64 if jax.config.jax_enable_x64 else jnp.int32)
    edge_weight = jax.random.uniform(k5, (E,), dtype=jnp.float32)
    # xavier_uniform for [D, D] weights: limit = sqrt(6/(fan_in+fan_out))
    limit = float(np.sqrt(6.0 / (D + D)))
    u_w = jax.random.uniform(k6, (D, D), dtype=jnp.float32, minval=-limit, maxval=limit)
    i_w = jax.random.uniform(k7, (D, D), dtype=jnp.float32, minval=-limit, maxval=limit)
    return {
        "user_embedding": user_embedding,
        "item_embedding": item_embedding,
        "edge_user": edge_user,
        "edge_item": edge_item,
        "edge_weight": edge_weight,
        "u_w": u_w,
        "i_w": i_w,
        "ind_beh": 0,
    }

def reference(user_embedding, item_embedding, edge_user, edge_item, edge_weight, u_w, i_w, ind_beh):
    # behavior_mats[ind_beh]['A'] is a sparse [userNum, itemNum] matrix in COO form
    # (edge_user, edge_item, edge_weight); 'AT' is its transpose. ind_beh selects the
    # behavior graph; here a single behavior graph is materialized.
    # u = spmm(A, item_embedding)
    gathered_items = jnp.take(item_embedding, edge_item, axis=0) * edge_weight[:, None]
    u = jax.ops.segment_sum(gathered_items, edge_user, num_segments=USER_NUM)
    # i = spmm(AT, user_embedding)
    gathered_users = jnp.take(user_embedding, edge_user, axis=0) * edge_weight[:, None]
    i = jax.ops.segment_sum(gathered_users, edge_item, num_segments=ITEM_NUM)
    u_res = user_embedding + u
    i_res = item_embedding + i
    u_emb = jax.nn.sigmoid(jnp.matmul(u_res, u_w))
    i_emb = jax.nn.sigmoid(jnp.matmul(i_res, i_w))
    return (u_emb, i_emb)

if __name__ == "__main__":
    import jax
    _d = setup_inputs()
    print(jax.jit(kernel)(*tuple(_d.values())))

</pallas_src>

<mosaic_0001>
#map = affine_map<(d0, d1) -> (0, 0)>
#map1 = affine_map<(d0, d1) -> (0)>
#map2 = affine_map<(d0, d1) -> (0, 0, 0)>
module attributes {stable_mosaic.version = 14 : i64} {
  func.func @k(%arg0: i32, %arg1: i32, %arg2: memref<5000x256xf32, #tpu.memory_space<hbm>>, %arg3: memref<5000x256xf32, #tpu.memory_space<hbm>>, %arg4: memref<160000xi32, #tpu.memory_space<hbm>>, %arg5: memref<160000xi32, #tpu.memory_space<hbm>>, %arg6: memref<160000xf32, #tpu.memory_space<hbm>>, %arg7: memref<2x5000x256xf32, #tpu.memory_space<hbm>>, %arg8: memref<80xi32, #tpu.memory_space<vmem>>, %arg9: memref<80xi32, #tpu.memory_space<vmem>>, %arg10: memref<80xi32, #tpu.memory_space<vmem>>, %arg11: memref<80xi32, #tpu.memory_space<vmem>>, %arg12: memref<80xf32, #tpu.memory_space<vmem>>, %arg13: memref<80xf32, #tpu.memory_space<vmem>>, %arg14: memref<80x256xf32, #tpu.memory_space<vmem>>, %arg15: memref<80x256xf32, #tpu.memory_space<vmem>>, %arg16: memref<5000x256xf32, #tpu.memory_space<vmem_shared>>, %arg17: memref<!tpu.dma_semaphore, #tpu.memory_space<semaphore_mem>>, %arg18: memref<!tpu.dma_semaphore, #tpu.memory_space<semaphore_mem>>) attributes {dimension_semantics = [#tpu.dimension_semantics<core_parallel>, #tpu.dimension_semantics<subcore_parallel>], iteration_bounds = array<i64: 2, 16>, scalar_prefetch = 0 : i64, scratch_operands = 11 : i64, tpu.core_type = #tpu.core_type<sc_vector_subcore>, window_params = [{transform_indices = #map}, {transform_indices = #map}, {transform_indices = #map1}, {transform_indices = #map1}, {transform_indices = #map1}, {transform_indices = #map2}]} {
    %mul3A = arith.constant 312 : i32
    %mul3A_0 = arith.muli %arg1, %mul3A : i32
    %eq3A = arith.constant 0 : i32
    %eq3A_1 = arith.cmpi eq, %arg0, %eq3A : i32
    %convert_element_type3A = arith.extui %eq3A_1 : i1 to i32
    %cond3A = arith.constant 0 : i32
    %cond3A_2 = arith.cmpi ne, %convert_element_type3A, %cond3A : i32
    scf.if %cond3A_2 {
      "tpu.region"() ({
        %run_scoped3A = tpu.sem_alloc : memref<!tpu.dma_semaphore, #tpu.memory_space<semaphore_mem>>
        %dma_start3A_92 = arith.constant 0 : i32
        %dma_start3A_93 = tpu.memref_slice %arg16[%mul3A_0, %dma_start3A_92] : memref<5000x256xf32, #tpu.memory_space<vmem_shared>> -> memref<312x256xf32, #tpu.memory_space<vmem_shared>>
        %dma_start3A_94 = arith.constant 0 : i32
        %dma_start3A_95 = tpu.memref_slice %arg2[%mul3A_0, %dma_start3A_94] : memref<5000x256xf32, #tpu.memory_space<hbm>> -> memref<312x256xf32, #tpu.memory_space<hbm>>
        tpu.enqueue_dma source(%dma_start3A_95 : memref<312x256xf32, #tpu.memory_space<hbm>>) target(%dma_start3A_93 : memref<312x256xf32, #tpu.memory_space<vmem_shared>>) target_semaphore(%run_scoped3A : memref<!tpu.dma_semaphore, #tpu.memory_space<semaphore_mem>>)
        %dma_wait3A_96 = arith.constant 0 : i32
        %dma_wait3A_97 = tpu.memref_slice %arg16[%mul3A_0, %dma_wait3A_96] : memref<5000x256xf32, #tpu.memory_space<vmem_shared>> -> memref<312x256xf32, #tpu.memory_space<vmem_shared>>
        %dma_wait3A_98 = arith.constant 0 : i32
        %dma_wait3A_99 = tpu.memref_slice %arg2[%mul3A_0, %dma_wait3A_98] : memref<5000x256xf32, #tpu.memory_space<hbm>> -> memref<312x256xf32, #tpu.memory_space<hbm>>
        tpu.wait_dma2 semaphore(%run_scoped3A : memref<!tpu.dma_semaphore, #tpu.memory_space<semaphore_mem>>) src(%dma_wait3A_99 : memref<312x256xf32, #tpu.memory_space<hbm>>) dst(%dma_wait3A_97 : memref<312x256xf32, #tpu.memory_space<vmem_shared>>)
        tpu.yield
      }) : () -> ()
      %eq3A_87 = arith.constant 0 : i32
      %eq3A_88 = arith.cmpi eq, %arg1, %eq3A_87 : i32
      %convert_element_type3A_89 = arith.extui %eq3A_88 : i1 to i32
      %cond3A_90 = arith.constant 0 : i32
      %cond3A_91 = arith.cmpi ne, %convert_element_type3A_89, %cond3A_90 : i32
      scf.if %cond3A_91 {
        "tpu.region"() ({
          %run_scoped3A = tpu.sem_alloc : memref<!tpu.dma_semaphore, #tpu.memory_space<semaphore_mem>>
          %dma_start3A_92 = arith.constant 4992 : i32
          %dma_start3A_93 = arith.constant 0 : i32
          %dma_start3A_94 = tpu.memref_slice %arg16[%dma_start3A_92, %dma_start3A_93] : memref<5000x256xf32, #tpu.memory_space<vmem_shared>> -> memref<8x256xf32, #tpu.memory_space<vmem_shared>>
          %dma_start3A_95 = arith.constant 4992 : i32
          %dma_start3A_96 = arith.constant 0 : i32
          %dma_start3A_97 = tpu.memref_slice %arg2[%dma_start3A_95, %dma_start3A_96] : memref<5000x256xf32, #tpu.memory_space<hbm>> -> memref<8x256xf32, #tpu.memory_space<hbm>>
          tpu.enqueue_dma source(%dma_start3A_97 : memref<8x256xf32, #tpu.memory_space<hbm>>) target(%dma_start3A_94 : memref<8x256xf32, #tpu.memory_space<vmem_shared>>) target_semaphore(%run_scoped3A : memref<!tpu.dma_semaphore, #tpu.memory_space<semaphore_mem>>)
          %dma_wait3A_98 = arith.constant 4992 : i32
          %dma_wait3A_99 = arith.constant 0 : i32
          %dma_wait3A_100 = tpu.memref_slice %arg16[%dma_wait3A_98, %dma_wait3A_99] : memref<5000x256xf32, #tpu.memory_space<vmem_shared>> -> memref<8x256xf32, #tpu.memory_space<vmem_shared>>
          %dma_wait3A_101 = arith.constant 4992 : i32
          %dma_wait3A_102 = arith.constant 0 : i32
          %dma_wait3A_103 = tpu.memref_slice %arg2[%dma_wait3A_101, %dma_wait3A_102] : memref<5000x256xf32, #tpu.memory_space<hbm>> -> memref<8x256xf32, #tpu.memory_space<hbm>>
          tpu.wait_dma2 semaphore(%run_scoped3A : memref<!tpu.dma_semaphore, #tpu.memory_space<semaphore_mem>>) src(%dma_wait3A_103 : memref<8x256xf32, #tpu.memory_space<hbm>>) dst(%dma_wait3A_100 : memref<8x256xf32, #tpu.memory_space<vmem_shared>>)
          tpu.yield
        }) : () -> ()
      } else {
      }
    } else {
    }
    %eq3A_3 = arith.constant 1 : i32
    %eq3A_4 = arith.cmpi eq, %arg0, %eq3A_3 : i32
    %convert_element_type3A_5 = arith.extui %eq3A_4 : i1 to i32
    %cond3A_6 = arith.constant 0 : i32
    %cond3A_7 = arith.cmpi ne, %convert_element_type3A_5, %cond3A_6 : i32
    scf.if %cond3A_7 {
      "tpu.region"() ({
        %run_scoped3A = tpu.sem_alloc : memref<!tpu.dma_semaphore, #tpu.memory_space<semaphore_mem>>
        %dma_start3A_92 = arith.constant 0 : i32
        %dma_start3A_93 = tpu.memref_slice %arg16[%mul3A_0, %dma_start3A_92] : memref<5000x256xf32, #tpu.memory_space<vmem_shared>> -> memref<312x256xf32, #tpu.memory_space<vmem_shared>>
        %dma_start3A_94 = arith.constant 0 : i32
        %dma_start3A_95 = tpu.memref_slice %arg3[%mul3A_0, %dma_start3A_94] : memref<5000x256xf32, #tpu.memory_space<hbm>> -> memref<312x256xf32, #tpu.memory_space<hbm>>
        tpu.enqueue_dma source(%dma_start3A_95 : memref<312x256xf32, #tpu.memory_space<hbm>>) target(%dma_start3A_93 : memref<312x256xf32, #tpu.memory_space<vmem_shared>>) target_semaphore(%run_scoped3A : memref<!tpu.dma_semaphore, #tpu.memory_space<semaphore_mem>>)
        %dma_wait3A_96 = arith.constant 0 : i32
        %dma_wait3A_97 = tpu.memref_slice %arg16[%mul3A_0, %dma_wait3A_96] : memref<5000x256xf32, #tpu.memory_space<vmem_shared>> -> memref<312x256xf32, #tpu.memory_space<vmem_shared>>
        %dma_wait3A_98 = arith.constant 0 : i32
        %dma_wait3A_99 = tpu.memref_slice %arg3[%mul3A_0, %dma_wait3A_98] : memref<5000x256xf32, #tpu.memory_space<hbm>> -> memref<312x256xf32, #tpu.memory_space<hbm>>
        tpu.wait_dma2 semaphore(%run_scoped3A : memref<!tpu.dma_semaphore, #tpu.memory_space<semaphore_mem>>) src(%dma_wait3A_99 : memref<312x256xf32, #tpu.memory_space<hbm>>) dst(%dma_wait3A_97 : memref<312x256xf32, #tpu.memory_space<vmem_shared>>)
        tpu.yield
      }) : () -> ()
      %eq3A_87 = arith.constant 0 : i32
      %eq3A_88 = arith.cmpi eq, %arg1, %eq3A_87 : i32
      %convert_element_type3A_89 = arith.extui %eq3A_88 : i1 to i32
      %cond3A_90 = arith.constant 0 : i32
      %cond3A_91 = arith.cmpi ne, %convert_element_type3A_89, %cond3A_90 : i32
      scf.if %cond3A_91 {
        "tpu.region"() ({
          %run_scoped3A = tpu.sem_alloc : memref<!tpu.dma_semaphore, #tpu.memory_space<semaphore_mem>>
          %dma_start3A_92 = arith.constant 4992 : i32
          %dma_start3A_93 = arith.constant 0 : i32
          %dma_start3A_94 = tpu.memref_slice %arg16[%dma_start3A_92, %dma_start3A_93] : memref<5000x256xf32, #tpu.memory_space<vmem_shared>> -> memref<8x256xf32, #tpu.memory_space<vmem_shared>>
          %dma_start3A_95 = arith.constant 4992 : i32
          %dma_start3A_96 = arith.constant 0 : i32
          %dma_start3A_97 = tpu.memref_slice %arg3[%dma_start3A_95, %dma_start3A_96] : memref<5000x256xf32, #tpu.memory_space<hbm>> -> memref<8x256xf32, #tpu.memory_space<hbm>>
          tpu.enqueue_dma source(%dma_start3A_97 : memref<8x256xf32, #tpu.memory_space<hbm>>) target(%dma_start3A_94 : memref<8x256xf32, #tpu.memory_space<vmem_shared>>) target_semaphore(%run_scoped3A : memref<!tpu.dma_semaphore, #tpu.memory_space<semaphore_mem>>)
          %dma_wait3A_98 = arith.constant 4992 : i32
          %dma_wait3A_99 = arith.constant 0 : i32
          %dma_wait3A_100 = tpu.memref_slice %arg16[%dma_wait3A_98, %dma_wait3A_99] : memref<5000x256xf32, #tpu.memory_space<vmem_shared>> -> memref<8x256xf32, #tpu.memory_space<vmem_shared>>
          %dma_wait3A_101 = arith.constant 4992 : i32
          %dma_wait3A_102 = arith.constant 0 : i32
          %dma_wait3A_103 = tpu.memref_slice %arg3[%dma_wait3A_101, %dma_wait3A_102] : memref<5000x256xf32, #tpu.memory_space<hbm>> -> memref<8x256xf32, #tpu.memory_space<hbm>>
          tpu.wait_dma2 semaphore(%run_scoped3A : memref<!tpu.dma_semaphore, #tpu.memory_space<semaphore_mem>>) src(%dma_wait3A_103 : memref<8x256xf32, #tpu.memory_space<hbm>>) dst(%dma_wait3A_100 : memref<8x256xf32, #tpu.memory_space<vmem_shared>>)
          tpu.yield
        }) : () -> ()
      } else {
      }
    } else {
    }
    %barrier3A = arith.constant 0 : index
    tpu.barrier barrier_id(%barrier3A)
    %mul3A_8 = arith.constant 10000 : i32
    %mul3A_9 = arith.muli %arg1, %mul3A_8 : i32
    %add3A = arith.constant 0 : i32
    %add3A_10 = arith.addi %mul3A_9, %add3A : i32
    %eq3A_11 = arith.constant 0 : i32
    %eq3A_12 = arith.cmpi eq, %arg0, %eq3A_11 : i32
    %convert_element_type3A_13 = arith.extui %eq3A_12 : i1 to i32
    %cond3A_14 = arith.constant 0 : i32
    %cond3A_15 = arith.cmpi ne, %convert_element_type3A_13, %cond3A_14 : i32
    scf.if %cond3A_15 {
      %dma_start3A_87 = tpu.memref_slice %arg5[%add3A_10] : memref<160000xi32, #tpu.memory_space<hbm>> -> memref<80xi32, #tpu.memory_space<hbm>>
      %dma_start3A_88 = tpu.memref_slice %arg5[%add3A_10] : memref<160000xi32, #tpu.memory_space<hbm>> -> memref<80xi32, #tpu.memory_space<hbm>>
      tpu.enqueue_dma source(%dma_start3A_88 : memref<80xi32, #tpu.memory_space<hbm>>) target(%arg8 : memref<80xi32, #tpu.memory_space<vmem>>) target_semaphore(%arg18 : memref<!tpu.dma_semaphore, #tpu.memory_space<semaphore_mem>>)
      %dma_start3A_89 = tpu.memref_slice %arg4[%add3A_10] : memref<160000xi32, #tpu.memory_space<hbm>> -> memref<80xi32, #tpu.memory_space<hbm>>
      %dma_start3A_90 = tpu.memref_slice %arg4[%add3A_10] : memref<160000xi32, #tpu.memory_space<hbm>> -> memref<80xi32, #tpu.memory_space<hbm>>
      tpu.enqueue_dma source(%dma_start3A_90 : memref<80xi32, #tpu.memory_space<hbm>>) target(%arg10 : memref<80xi32, #tpu.memory_space<vmem>>) target_semaphore(%arg18 : memref<!tpu.dma_semaphore, #tpu.memory_space<semaphore_mem>>)
    } else {
    }
    %eq3A_16 = arith.constant 1 : i32
    %eq3A_17 = arith.cmpi eq, %arg0, %eq3A_16 : i32
    %convert_element_type3A_18 = arith.extui %eq3A_17 : i1 to i32
    %cond3A_19 = arith.constant 0 : i32
    %cond3A_20 = arith.cmpi ne, %convert_element_type3A_18, %cond3A_19 : i32
    scf.if %cond3A_20 {
      %dma_start3A_87 = tpu.memref_slice %arg4[%add3A_10] : memref<160000xi32, #tpu.memory_space<hbm>> -> memref<80xi32, #tpu.memory_space<hbm>>
      %dma_start3A_88 = tpu.memref_slice %arg4[%add3A_10] : memref<160000xi32, #tpu.memory_space<hbm>> -> memref<80xi32, #tpu.memory_space<hbm>>
      tpu.enqueue_dma source(%dma_start3A_88 : memref<80xi32, #tpu.memory_space<hbm>>) target(%arg8 : memref<80xi32, #tpu.memory_space<vmem>>) target_semaphore(%arg18 : memref<!tpu.dma_semaphore, #tpu.memory_space<semaphore_mem>>)
      %dma_start3A_89 = tpu.memref_slice %arg5[%add3A_10] : memref<160000xi32, #tpu.memory_space<hbm>> -> memref<80xi32, #tpu.memory_space<hbm>>
      %dma_start3A_90 = tpu.memref_slice %arg5[%add3A_10] : memref<160000xi32, #tpu.memory_space<hbm>> -> memref<80xi32, #tpu.memory_space<hbm>>
      tpu.enqueue_dma source(%dma_start3A_90 : memref<80xi32, #tpu.memory_space<hbm>>) target(%arg10 : memref<80xi32, #tpu.memory_space<vmem>>) target_semaphore(%arg18 : memref<!tpu.dma_semaphore, #tpu.memory_space<semaphore_mem>>)
    } else {
    }
    %dma_start3A = tpu.memref_slice %arg6[%add3A_10] : memref<160000xf32, #tpu.memory_space<hbm>> -> memref<80xf32, #tpu.memory_space<hbm>>
    %dma_start3A_21 = tpu.memref_slice %arg6[%add3A_10] : memref<160000xf32, #tpu.memory_space<hbm>> -> memref<80xf32, #tpu.memory_space<hbm>>
    tpu.enqueue_dma source(%dma_start3A_21 : memref<80xf32, #tpu.memory_space<hbm>>) target(%arg12 : memref<80xf32, #tpu.memory_space<vmem>>) target_semaphore(%arg18 : memref<!tpu.dma_semaphore, #tpu.memory_space<semaphore_mem>>)
    %add3A_22 = arith.constant 80 : i32
    %add3A_23 = arith.addi %mul3A_9, %add3A_22 : i32
    %eq3A_24 = arith.constant 0 : i32
    %eq3A_25 = arith.cmpi eq, %arg0, %eq3A_24 : i32
    %convert_element_type3A_26 = arith.extui %eq3A_25 : i1 to i32
    %cond3A_27 = arith.constant 0 : i32
    %cond3A_28 = arith.cmpi ne, %convert_element_type3A_26, %cond3A_27 : i32
    scf.if %cond3A_28 {
      %dma_start3A_87 = tpu.memref_slice %arg5[%add3A_23] : memref<160000xi32, #tpu.memory_space<hbm>> -> memref<80xi32, #tpu.memory_space<hbm>>
      %dma_start3A_88 = tpu.memref_slice %arg5[%add3A_23] : memref<160000xi32, #tpu.memory_space<hbm>> -> memref<80xi32, #tpu.memory_space<hbm>>
      tpu.enqueue_dma source(%dma_start3A_88 : memref<80xi32, #tpu.memory_space<hbm>>) target(%arg9 : memref<80xi32, #tpu.memory_space<vmem>>) target_semaphore(%arg18 : memref<!tpu.dma_semaphore, #tpu.memory_space<semaphore_mem>>)
      %dma_start3A_89 = tpu.memref_slice %arg4[%add3A_23] : memref<160000xi32, #tpu.memory_space<hbm>> -> memref<80xi32, #tpu.memory_space<hbm>>
      %dma_start3A_90 = tpu.memref_slice %arg4[%add3A_23] : memref<160000xi32, #tpu.memory_space<hbm>> -> memref<80xi32, #tpu.memory_space<hbm>>
      tpu.enqueue_dma source(%dma_start3A_90 : memref<80xi32, #tpu.memory_space<hbm>>) target(%arg11 : memref<80xi32, #tpu.memory_space<vmem>>) target_semaphore(%arg18 : memref<!tpu.dma_semaphore, #tpu.memory_space<semaphore_mem>>)
    } else {
    }
    %eq3A_29 = arith.constant 1 : i32
    %eq3A_30 = arith.cmpi eq, %arg0, %eq3A_29 : i32
    %convert_element_type3A_31 = arith.extui %eq3A_30 : i1 to i32
    %cond3A_32 = arith.constant 0 : i32
    %cond3A_33 = arith.cmpi ne, %convert_element_type3A_31, %cond3A_32 : i32
    scf.if %cond3A_33 {
      %dma_start3A_87 = tpu.memref_slice %arg4[%add3A_23] : memref<160000xi32, #tpu.memory_space<hbm>> -> memref<80xi32, #tpu.memory_space<hbm>>
      %dma_start3A_88 = tpu.memref_slice %arg4[%add3A_23] : memref<160000xi32, #tpu.memory_space<hbm>> -> memref<80xi32, #tpu.memory_space<hbm>>
      tpu.enqueue_dma source(%dma_start3A_88 : memref<80xi32, #tpu.memory_space<hbm>>) target(%arg9 : memref<80xi32, #tpu.memory_space<vmem>>) target_semaphore(%arg18 : memref<!tpu.dma_semaphore, #tpu.memory_space<semaphore_mem>>)
      %dma_start3A_89 = tpu.memref_slice %arg5[%add3A_23] : memref<160000xi32, #tpu.memory_space<hbm>> -> memref<80xi32, #tpu.memory_space<hbm>>
      %dma_start3A_90 = tpu.memref_slice %arg5[%add3A_23] : memref<160000xi32, #tpu.memory_space<hbm>> -> memref<80xi32, #tpu.memory_space<hbm>>
      tpu.enqueue_dma source(%dma_start3A_90 : memref<80xi32, #tpu.memory_space<hbm>>) target(%arg11 : memref<80xi32, #tpu.memory_space<vmem>>) target_semaphore(%arg18 : memref<!tpu.dma_semaphore, #tpu.memory_space<semaphore_mem>>)
    } else {
    }
    %dma_start3A_34 = tpu.memref_slice %arg6[%add3A_23] : memref<160000xf32, #tpu.memory_space<hbm>> -> memref<80xf32, #tpu.memory_space<hbm>>
    %dma_start3A_35 = tpu.memref_slice %arg6[%add3A_23] : memref<160000xf32, #tpu.memory_space<hbm>> -> memref<80xf32, #tpu.memory_space<hbm>>
    tpu.enqueue_dma source(%dma_start3A_35 : memref<80xf32, #tpu.memory_space<hbm>>) target(%arg13 : memref<80xf32, #tpu.memory_space<vmem>>) target_semaphore(%arg18 : memref<!tpu.dma_semaphore, #tpu.memory_space<semaphore_mem>>)
    %dma_wait3A = arith.constant 0 : i32
    %dma_wait3A_36 = tpu.memref_slice %arg4[%dma_wait3A] : memref<160000xi32, #tpu.memory_space<hbm>> -> memref<80xi32, #tpu.memory_space<hbm>>
    %dma_wait3A_37 = arith.constant 0 : i32
    %dma_wait3A_38 = tpu.memref_slice %arg4[%dma_wait3A_37] : memref<160000xi32, #tpu.memory_space<hbm>> -> memref<80xi32, #tpu.memory_space<hbm>>
    tpu.wait_dma2 semaphore(%arg18 : memref<!tpu.dma_semaphore, #tpu.memory_space<semaphore_mem>>) src(%dma_wait3A_38 : memref<80xi32, #tpu.memory_space<hbm>>) dst(%arg8 : memref<80xi32, #tpu.memory_space<vmem>>)
    %dma_wait3A_39 = arith.constant 0 : i32
    %dma_wait3A_40 = tpu.memref_slice %arg4[%dma_wait3A_39] : memref<160000xi32, #tpu.memory_space<hbm>> -> memref<80xi32, #tpu.memory_space<hbm>>
    %dma_wait3A_41 = arith.constant 0 : i32
    %dma_wait3A_42 = tpu.memref_slice %arg4[%dma_wait3A_41] : memref<160000xi32, #tpu.memory_space<hbm>> -> memref<80xi32, #tpu.memory_space<hbm>>
    tpu.wait_dma2 semaphore(%arg18 : memref<!tpu.dma_semaphore, #tpu.memory_space<semaphore_mem>>) src(%dma_wait3A_42 : memref<80xi32, #tpu.memory_space<hbm>>) dst(%arg10 : memref<80xi32, #tpu.memory_space<vmem>>)
    %dma_wait3A_43 = arith.constant 0 : i32
    %dma_wait3A_44 = tpu.memref_slice %arg6[%dma_wait3A_43] : memref<160000xf32, #tpu.memory_space<hbm>> -> memref<80xf32, #tpu.memory_space<hbm>>
    %dma_wait3A_45 = arith.constant 0 : i32
    %dma_wait3A_46 = tpu.memref_slice %arg6[%dma_wait3A_45] : memref<160000xf32, #tpu.memory_space<hbm>> -> memref<80xf32, #tpu.memory_space<hbm>>
    tpu.wait_dma2 semaphore(%arg18 : memref<!tpu.dma_semaphore, #tpu.memory_space<semaphore_mem>>) src(%dma_wait3A_46 : memref<80xf32, #tpu.memory_space<hbm>>) dst(%arg12 : memref<80xf32, #tpu.memory_space<vmem>>)
    %eq3A_47 = arith.constant 0 : i32
    %eq3A_48 = arith.cmpi eq, %arg0, %eq3A_47 : i32
    %convert_element_type3A_49 = arith.extui %eq3A_48 : i1 to i32
    %cond3A_50 = arith.constant 0 : i32
    %cond3A_51 = arith.cmpi ne, %convert_element_type3A_49, %cond3A_50 : i32
    scf.if %cond3A_51 {
      %dma_start3A_87 = arith.constant 0 : i32
      %dma_start3A_88 = arith.constant 0 : i32
      %dma_start3A_89 = tpu.memref_slice %arg3[%dma_start3A_87, %dma_start3A_88] : memref<5000x256xf32, #tpu.memory_space<hbm>> -> memref<5000x256xf32, #tpu.memory_space<hbm>>
      tpu.enqueue_indirect_dma source(%dma_start3A_89 : memref<5000x256xf32, #tpu.memory_space<hbm>>) target(%arg14 : memref<80x256xf32, #tpu.memory_space<vmem>>) offsets(%arg8 : memref<80xi32, #tpu.memory_space<vmem>>) semaphore(%arg17 : memref<!tpu.dma_semaphore, #tpu.memory_space<semaphore_mem>>)
    } else {
    }
    %eq3A_52 = arith.constant 1 : i32
    %eq3A_53 = arith.cmpi eq, %arg0, %eq3A_52 : i32
    %convert_element_type3A_54 = arith.extui %eq3A_53 : i1 to i32
    %cond3A_55 = arith.constant 0 : i32
    %cond3A_56 = arith.cmpi ne, %convert_element_type3A_54, %cond3A_55 : i32
    scf.if %cond3A_56 {
      %dma_start3A_87 = arith.constant 0 : i32
      %dma_start3A_88 = arith.constant 0 : i32
      %dma_start3A_89 = tpu.memref_slice %arg2[%dma_start3A_87, %dma_start3A_88] : memref<5000x256xf32, #tpu.memory_space<hbm>> -> memref<5000x256xf32, #tpu.memory_space<hbm>>
      tpu.enqueue_indirect_dma source(%dma_start3A_89 : memref<5000x256xf32, #tpu.memory_space<hbm>>) target(%arg14 : memref<80x256xf32, #tpu.memory_space<vmem>>) offsets(%arg8 : memref<80xi32, #tpu.memory_space<vmem>>) semaphore(%arg17 : memref<!tpu.dma_semaphore, #tpu.memory_space<semaphore_mem>>)
    } else {
    }
    %dma_wait3A_57 = arith.constant 0 : i32
    %dma_wait3A_58 = tpu.memref_slice %arg4[%dma_wait3A_57] : memref<160000xi32, #tpu.memory_space<hbm>> -> memref<80xi32, #tpu.memory_space<hbm>>
    %dma_wait3A_59 = arith.constant 0 : i32
    %dma_wait3A_60 = tpu.memref_slice %arg4[%dma_wait3A_59] : memref<160000xi32, #tpu.memory_space<hbm>> -> memref<80xi32, #tpu.memory_space<hbm>>
    tpu.wait_dma2 semaphore(%arg18 : memref<!tpu.dma_semaphore, #tpu.memory_space<semaphore_mem>>) src(%dma_wait3A_60 : memref<80xi32, #tpu.memory_space<hbm>>) dst(%arg9 : memref<80xi32, #tpu.memory_space<vmem>>)
    %dma_wait3A_61 = arith.constant 0 : i32
    %dma_wait3A_62 = tpu.memref_slice %arg4[%dma_wait3A_61] : memref<160000xi32, #tpu.memory_space<hbm>> -> memref<80xi32, #tpu.memory_space<hbm>>
    %dma_wait3A_63 = arith.constant 0 : i32
    %dma_wait3A_64 = tpu.memref_slice %arg4[%dma_wait3A_63] : memref<160000xi32, #tpu.memory_space<hbm>> -> memref<80xi32, #tpu.memory_space<hbm>>
    tpu.wait_dma2 semaphore(%arg18 : memref<!tpu.dma_semaphore, #tpu.memory_space<semaphore_mem>>) src(%dma_wait3A_64 : memref<80xi32, #tpu.memory_space<hbm>>) dst(%arg11 : memref<80xi32, #tpu.memory_space<vmem>>)
    %dma_wait3A_65 = arith.constant 0 : i32
    %dma_wait3A_66 = tpu.memref_slice %arg6[%dma_wait3A_65] : memref<160000xf32, #tpu.memory_space<hbm>> -> memref<80xf32, #tpu.memory_space<hbm>>
    %dma_wait3A_67 = arith.constant 0 : i32
    %dma_wait3A_68 = tpu.memref_slice %arg6[%dma_wait3A_67] : memref<160000xf32, #tpu.memory_space<hbm>> -> memref<80xf32, #tpu.memory_space<hbm>>
    tpu.wait_dma2 semaphore(%arg18 : memref<!tpu.dma_semaphore, #tpu.memory_space<semaphore_mem>>) src(%dma_wait3A_68 : memref<80xf32, #tpu.memory_space<hbm>>) dst(%arg13 : memref<80xf32, #tpu.memory_space<vmem>>)
    %scan3A = arith.constant 0 : i32
    %scan3A_69 = arith.constant 62 : i32
    %scan3A_70 = arith.addi %scan3A, %scan3A_69 : i32
    %scan3A_71 = arith.constant 1 : i32
    scf.for %scan3A_87 = %scan3A to %scan3A_70 step %scan3A_71  : i32 {
      %mul3A_88 = arith.constant 2 : i32
      %mul3A_89 = arith.muli %scan3A_87, %mul3A_88 : i32
      %add3A_90 = arith.constant 0 : i32
      %add3A_91 = arith.addi %add3A_90, %mul3A_89 : i32
      %dma_wait3A_92 = arith.constant 0 : i32
      %dma_wait3A_93 = arith.constant 0 : i32
      %dma_wait3A_94 = tpu.memref_slice %arg3[%dma_wait3A_92, %dma_wait3A_93] : memref<5000x256xf32, #tpu.memory_space<hbm>> -> memref<5000x256xf32, #tpu.memory_space<hbm>>
      tpu.wait_indirect_dma semaphore(%arg17 : memref<!tpu.dma_semaphore, #tpu.memory_space<semaphore_mem>>) src(%dma_wait3A_94 : memref<5000x256xf32, #tpu.memory_space<hbm>>) dst(%arg14 : memref<80x256xf32, #tpu.memory_space<vmem>>)
      %eq3A_95 = arith.constant 0 : i32
      %eq3A_96 = arith.cmpi eq, %arg0, %eq3A_95 : i32
      %convert_element_type3A_97 = arith.extui %eq3A_96 : i1 to i32
      %cond3A_98 = arith.constant 0 : i32
      %cond3A_99 = arith.cmpi ne, %convert_element_type3A_97, %cond3A_98 : i32
      scf.if %cond3A_99 {
        %dma_start3A_138 = arith.constant 0 : i32
        %dma_start3A_139 = arith.constant 0 : i32
        %dma_start3A_140 = tpu.memref_slice %arg3[%dma_start3A_138, %dma_start3A_139] : memref<5000x256xf32, #tpu.memory_space<hbm>> -> memref<5000x256xf32, #tpu.memory_space<hbm>>
        tpu.enqueue_indirect_dma source(%dma_start3A_140 : memref<5000x256xf32, #tpu.memory_space<hbm>>) target(%arg15 : memref<80x256xf32, #tpu.memory_space<vmem>>) offsets(%arg9 : memref<80xi32, #tpu.memory_space<vmem>>) semaphore(%arg17 : memref<!tpu.dma_semaphore, #tpu.memory_space<semaphore_mem>>)
      } else {
      }
      %eq3A_100 = arith.constant 1 : i32
      %eq3A_101 = arith.cmpi eq, %arg0, %eq3A_100 : i32
      %convert_element_type3A_102 = arith.extui %eq3A_101 : i1 to i32
      %cond3A_103 = arith.constant 0 : i32
      %cond3A_104 = arith.cmpi ne, %convert_element_type3A_102, %cond3A_103 : i32
      scf.if %cond3A_104 {
        %dma_start3A_138 = arith.constant 0 : i32
        %dma_start3A_139 = arith.constant 0 : i32
        %dma_start3A_140 = tpu.memref_slice %arg2[%dma_start3A_138, %dma_start3A_139] : memref<5000x256xf32, #tpu.memory_space<hbm>> -> memref<5000x256xf32, #tpu.memory_space<hbm>>
        tpu.enqueue_indirect_dma source(%dma_start3A_140 : memref<5000x256xf32, #tpu.memory_space<hbm>>) target(%arg15 : memref<80x256xf32, #tpu.memory_space<vmem>>) offsets(%arg9 : memref<80xi32, #tpu.memory_space<vmem>>) semaphore(%arg17 : memref<!tpu.dma_semaphore, #tpu.memory_space<semaphore_mem>>)
      } else {
      }
      %scan3A_105 = arith.constant 0 : i32
      %scan3A_106 = arith.constant 80 : i32
      %scan3A_107 = arith.addi %scan3A_105, %scan3A_106 : i32
      %scan3A_108 = arith.constant 1 : i32
      scf.for %scan3A_138 = %scan3A_105 to %scan3A_107 step %scan3A_108  : i32 {
        %mul3A_139 = arith.constant 1 : i32
        %mul3A_140 = arith.muli %scan3A_138, %mul3A_139 : i32
        %add3A_141 = arith.constant 0 : i32
        %add3A_142 = arith.addi %add3A_141, %mul3A_140 : i32
        %broadcast_in_dim3A = vector.broadcast %add3A_142 : i32 to vector<16xi32>
        %gather3A = tpu.vector_load_idx %arg12[%broadcast_in_dim3A] : memref<80xf32, #tpu.memory_space<vmem>>[vector<16xi32>], vector<16xf32>,
        %get3A = arith.index_cast %add3A_142 : i32 to index
        %get3A_143 = arith.constant 0 : index
        %get3A_144 = tpu.vector_load %arg14[%get3A, %get3A_143] {strides = array<i32>} : memref<80x256xf32, #tpu.memory_space<vmem>>, vector<16xf32>,
        %mul3A_145 = arith.mulf %get3A_144, %gather3A : vector<16xf32>
        %swap3A = arith.index_cast %add3A_142 : i32 to index
        %swap3A_146 = arith.constant 0 : index
        %swap3A_147 = tpu.vector_load %arg14[%swap3A, %swap3A_146] {strides = array<i32>} : memref<80x256xf32, #tpu.memory_space<vmem>>, vector<16xf32>,
        tpu.vector_store %arg14[%swap3A, %swap3A_146], %mul3A_145 {strides = array<i32>} : memref<80x256xf32, #tpu.memory_space<vmem>>, vector<16xf32>,
        %get3A_148 = arith.index_cast %add3A_142 : i32 to index
        %get3A_149 = arith.constant 16 : index
        %get3A_150 = tpu.vector_load %arg14[%get3A_148, %get3A_149] {strides = array<i32>} : memref<80x256xf32, #tpu.memory_space<vmem>>, vector<16xf32>,
        %mul3A_151 = arith.mulf %get3A_150, %gather3A : vector<16xf32>
        %swap3A_152 = arith.index_cast %add3A_142 : i32 to index
        %swap3A_153 = arith.constant 16 : index
        %swap3A_154 = tpu.vector_load %arg14[%swap3A_152, %swap3A_153] {strides = array<i32>} : memref<80x256xf32, #tpu.memory_space<vmem>>, vector<16xf32>,
        tpu.vector_store %arg14[%swap3A_152, %swap3A_153], %mul3A_151 {strides = array<i32>} : memref<80x256xf32, #tpu.memory_space<vmem>>, vector<16xf32>,
        %get3A_155 = arith.index_cast %add3A_142 : i32 to index
        %get3A_156 = arith.constant 32 : index
        %get3A_157 = tpu.vector_load %arg14[%get3A_155, %get3A_156] {strides = array<i32>} : memref<80x256xf32, #tpu.memory_space<vmem>>, vector<16xf32>,
        %mul3A_158 = arith.mulf %get3A_157, %gather3A : vector<16xf32>
        %swap3A_159 = arith.index_cast %add3A_142 : i32 to index
        %swap3A_160 = arith.constant 32 : index
        %swap3A_161 = tpu.vector_load %arg14[%swap3A_159, %swap3A_160] {strides = array<i32>} : memref<80x256xf32, #tpu.memory_space<vmem>>, vector<16xf32>,
        tpu.vector_store %arg14[%swap3A_159, %swap3A_160], %mul3A_158 {strides = array<i32>} : memref<80x256xf32, #tpu.memory_space<vmem>>, vector<16xf32>,
        %get3A_162 = arith.index_cast %add3A_142 : i32 to index
        %get3A_163 = arith.constant 48 : index
        %get3A_164 = tpu.vector_load %arg14[%get3A_162, %get3A_163] {strides = array<i32>} : memref<80x256xf32, #tpu.memory_space<vmem>>, vector<16xf32>,
        %mul3A_165 = arith.mulf %get3A_164, %gather3A : vector<16xf32>
        %swap3A_166 = arith.index_cast %add3A_142 : i32 to index
        %swap3A_167 = arith.constant 48 : index
        %swap3A_168 = tpu.vector_load %arg14[%swap3A_166, %swap3A_167] {strides = array<i32>} : memref<80x256xf32, #tpu.memory_space<vmem>>, vector<16xf32>,
        tpu.vector_store %arg14[%swap3A_166, %swap3A_167], %mul3A_165 {strides = array<i32>} : memref<80x256xf32, #tpu.memory_space<vmem>>, vector<16xf32>,
        %get3A_169 = arith.index_cast %add3A_142 : i32 to index
        %get3A_170 = arith.constant 64 : index
        %get3A_171 = tpu.vector_load %arg14[%get3A_169, %get3A_170] {strides = array<i32>} : memref<80x256xf32, #tpu.memory_space<vmem>>, vector<16xf32>,
        %mul3A_172 = arith.mulf %get3A_171, %gather3A : vector<16xf32>
        %swap3A_173 = arith.index_cast %add3A_142 : i32 to index
        %swap3A_174 = arith.constant 64 : index
        %swap3A_175 = tpu.vector_load %arg14[%swap3A_173, %swap3A_174] {strides = array<i32>} : memref<80x256xf32, #tpu.memory_space<vmem>>, vector<16xf32>,
        tpu.vector_store %arg14[%swap3A_173, %swap3A_174], %mul3A_172 {strides = array<i32>} : memref<80x256xf32, #tpu.memory_space<vmem>>, vector<16xf32>,
        %get3A_176 = arith.index_cast %add3A_142 : i32 to index
        %get3A_177 = arith.constant 80 : index
        %get3A_178 = tpu.vector_load %arg14[%get3A_176, %get3A_177] {strides = array<i32>} : memref<80x256xf32, #tpu.memory_space<vmem>>, vector<16xf32>,
        %mul3A_179 = arith.mulf %get3A_178, %gather3A : vector<16xf32>
        %swap3A_180 = arith.index_cast %add3A_142 : i32 to index
        %swap3A_181 = arith.constant 80 : index
        %swap3A_182 = tpu.vector_load %arg14[%swap3A_180, %swap3A_181] {strides = array<i32>} : memref<80x256xf32, #tpu.memory_space<vmem>>, vector<16xf32>,
        tpu.vector_store %arg14[%swap3A_180, %swap3A_181], %mul3A_179 {strides = array<i32>} : memref<80x256xf32, #tpu.memory_space<vmem>>, vector<16xf32>,
        %get3A_183 = arith.index_cast %add3A_142 : i32 to index
        %get3A_184 = arith.constant 96 : index
        %get3A_185 = tpu.vector_load %arg14[%get3A_183, %get3A_184] {strides = array<i32>} : memref<80x256xf32, #tpu.memory_space<vmem>>, vector<16xf32>,
        %mul3A_186 = arith.mulf %get3A_185, %gather3A : vector<16xf32>
        %swap3A_187 = arith.index_cast %add3A_142 : i32 to index
        %swap3A_188 = arith.constant 96 : index
        %swap3A_189 = tpu.vector_load %arg14[%swap3A_187, %swap3A_188] {strides = array<i32>} : memref<80x256xf32, #tpu.memory_space<vmem>>, vector<16xf32>,
        tpu.vector_store %arg14[%swap3A_187, %swap3A_188], %mul3A_186 {strides = array<i32>} : memref<80x256xf32, #tpu.memory_space<vmem>>, vector<16xf32>,
        %get3A_190 = arith.index_cast %add3A_142 : i32 to index
        %get3A_191 = arith.constant 112 : index
        %get3A_192 = tpu.vector_load %arg14[%get3A_190, %get3A_191] {strides = array<i32>} : memref<80x256xf32, #tpu.memory_space<vmem>>, vector<16xf32>,
        %mul3A_193 = arith.mulf %get3A_192, %gather3A : vector<16xf32>
        %swap3A_194 = arith.index_cast %add3A_142 : i32 to index
        %swap3A_195 = arith.constant 112 : index
        %swap3A_196 = tpu.vector_load %arg14[%swap3A_194, %swap3A_195] {strides = array<i32>} : memref<80x256xf32, #tpu.memory_space<vmem>>, vector<16xf32>,
        tpu.vector_store %arg14[%swap3A_194, %swap3A_195], %mul3A_193 {strides = array<i32>} : memref<80x256xf32, #tpu.memory_space<vmem>>, vector<16xf32>,
        %get3A_197 = arith.index_cast %add3A_142 : i32 to index
        %get3A_198 = arith.constant 128 : index
        %get3A_199 = tpu.vector_load %arg14[%get3A_197, %get3A_198] {strides = array<i32>} : memref<80x256xf32, #tpu.memory_space<vmem>>, vector<16xf32>,
        %mul3A_200 = arith.mulf %get3A_199, %gather3A : vector<16xf32>
        %swap3A_201 = arith.index_cast %add3A_142 : i32 to index
        %swap3A_202 = arith.constant 128 : index
        %swap3A_203 = tpu.vector_load %arg14[%swap3A_201, %swap3A_202] {strides = array<i32>} : memref<80x256xf32, #tpu.memory_space<vmem>>, vector<16xf32>,
        tpu.vector_store %arg14[%swap3A_201, %swap3A_202], %mul3A_200 {strides = array<i32>} : memref<80x256xf32, #tpu.memory_space<vmem>>, vector<16xf32>,
        %get3A_204 = arith.index_cast %add3A_142 : i32 to index
        %get3A_205 = arith.constant 144 : index
        %get3A_206 = tpu.vector_load %arg14[%get3A_204, %get3A_205] {strides = array<i32>} : memref<80x256xf32, #tpu.memory_space<vmem>>, vector<16xf32>,
        %mul3A_207 = arith.mulf %get3A_206, %gather3A : vector<16xf32>
        %swap3A_208 = arith.index_cast %add3A_142 : i32 to index
        %swap3A_209 = arith.constant 144 : index
        %swap3A_210 = tpu.vector_load %arg14[%swap3A_208, %swap3A_209] {strides = array<i32>} : memref<80x256xf32, #tpu.memory_space<vmem>>, vector<16xf32>,
        tpu.vector_store %arg14[%swap3A_208, %swap3A_209], %mul3A_207 {strides = array<i32>} : memref<80x256xf32, #tpu.memory_space<vmem>>, vector<16xf32>,
        %get3A_211 = arith.index_cast %add3A_142 : i32 to index
        %get3A_212 = arith.constant 160 : index
        %get3A_213 = tpu.vector_load %arg14[%get3A_211, %get3A_212] {strides = array<i32>} : memref<80x256xf32, #tpu.memory_space<vmem>>, vector<16xf32>,
        %mul3A_214 = arith.mulf %get3A_213, %gather3A : vector<16xf32>
        %swap3A_215 = arith.index_cast %add3A_142 : i32 to index
        %swap3A_216 = arith.constant 160 : index
        %swap3A_217 = tpu.vector_load %arg14[%swap3A_215, %swap3A_216] {strides = array<i32>} : memref<80x256xf32, #tpu.memory_space<vmem>>, vector<16xf32>,
        tpu.vector_store %arg14[%swap3A_215, %swap3A_216], %mul3A_214 {strides = array<i32>} : memref<80x256xf32, #tpu.memory_space<vmem>>, vector<16xf32>,
        %get3A_218 = arith.index_cast %add3A_142 : i32 to index
        %get3A_219 = arith.constant 176 : index
        %get3A_220 = tpu.vector_load %arg14[%get3A_218, %get3A_219] {strides = array<i32>} : memref<80x256xf32, #tpu.memory_space<vmem>>, vector<16xf32>,
        %mul3A_221 = arith.mulf %get3A_220, %gather3A : vector<16xf32>
        %swap3A_222 = arith.index_cast %add3A_142 : i32 to index
        %swap3A_223 = arith.constant 176 : index
        %swap3A_224 = tpu.vector_load %arg14[%swap3A_222, %swap3A_223] {strides = array<i32>} : memref<80x256xf32, #tpu.memory_space<vmem>>, vector<16xf32>,
        tpu.vector_store %arg14[%swap3A_222, %swap3A_223], %mul3A_221 {strides = array<i32>} : memref<80x256xf32, #tpu.memory_space<vmem>>, vector<16xf32>,
        %get3A_225 = arith.index_cast %add3A_142 : i32 to index
        %get3A_226 = arith.constant 192 : index
        %get3A_227 = tpu.vector_load %arg14[%get3A_225, %get3A_226] {strides = array<i32>} : memref<80x256xf32, #tpu.memory_space<vmem>>, vector<16xf32>,
        %mul3A_228 = arith.mulf %get3A_227, %gather3A : vector<16xf32>
        %swap3A_229 = arith.index_cast %add3A_142 : i32 to index
        %swap3A_230 = arith.constant 192 : index
        %swap3A_231 = tpu.vector_load %arg14[%swap3A_229, %swap3A_230] {strides = array<i32>} : memref<80x256xf32, #tpu.memory_space<vmem>>, vector<16xf32>,
        tpu.vector_store %arg14[%swap3A_229, %swap3A_230], %mul3A_228 {strides = array<i32>} : memref<80x256xf32, #tpu.memory_space<vmem>>, vector<16xf32>,
        %get3A_232 = arith.index_cast %add3A_142 : i32 to index
        %get3A_233 = arith.constant 208 : index
        %get3A_234 = tpu.vector_load %arg14[%get3A_232, %get3A_233] {strides = array<i32>} : memref<80x256xf32, #tpu.memory_space<vmem>>, vector<16xf32>,
        %mul3A_235 = arith.mulf %get3A_234, %gather3A : vector<16xf32>
        %swap3A_236 = arith.index_cast %add3A_142 : i32 to index
        %swap3A_237 = arith.constant 208 : index
        %swap3A_238 = tpu.vector_load %arg14[%swap3A_236, %swap3A_237] {strides = array<i32>} : memref<80x256xf32, #tpu.memory_space<vmem>>, vector<16xf32>,
        tpu.vector_store %arg14[%swap3A_236, %swap3A_237], %mul3A_235 {strides = array<i32>} : memref<80x256xf32, #tpu.memory_space<vmem>>, vector<16xf32>,
        %get3A_239 = arith.index_cast %add3A_142 : i32 to index
        %get3A_240 = arith.constant 224 : index
        %get3A_241 = tpu.vector_load %arg14[%get3A_239, %get3A_240] {strides = array<i32>} : memref<80x256xf32, #tpu.memory_space<vmem>>, vector<16xf32>,
        %mul3A_242 = arith.mulf %get3A_241, %gather3A : vector<16xf32>
        %swap3A_243 = arith.index_cast %add3A_142 : i32 to index
        %swap3A_244 = arith.constant 224 : index
        %swap3A_245 = tpu.vector_load %arg14[%swap3A_243, %swap3A_244] {strides = array<i32>} : memref<80x256xf32, #tpu.memory_space<vmem>>, vector<16xf32>,
        tpu.vector_store %arg14[%swap3A_243, %swap3A_244], %mul3A_242 {strides = array<i32>} : memref<80x256xf32, #tpu.memory_space<vmem>>, vector<16xf32>,
        %get3A_246 = arith.index_cast %add3A_142 : i32 to index
        %get3A_247 = arith.constant 240 : index
        %get3A_248 = tpu.vector_load %arg14[%get3A_246, %get3A_247] {strides = array<i32>} : memref<80x256xf32, #tpu.memory_space<vmem>>, vector<16xf32>,
        %mul3A_249 = arith.mulf %get3A_248, %gather3A : vector<16xf32>
        %swap3A_250 = arith.index_cast %add3A_142 : i32 to index
        %swap3A_251 = arith.constant 240 : index
        %swap3A_252 = tpu.vector_load %arg14[%swap3A_250, %swap3A_251] {strides = array<i32>} : memref<80x256xf32, #tpu.memory_space<vmem>>, vector<16xf32>,
        tpu.vector_store %arg14[%swap3A_250, %swap3A_251], %mul3A_249 {strides = array<i32>} : memref<80x256xf32, #tpu.memory_space<vmem>>, vector<16xf32>,
      }
      %scan3A_109 = arith.constant 80 : i32
      "tpu.region"() ({
        %run_scoped3A = tpu.sem_alloc : memref<!tpu.dma_semaphore, #tpu.memory_space<semaphore_mem>>
        %dma_start3A_138 = arith.constant 0 : i32
        %dma_start3A_139 = arith.constant 0 : i32
        %dma_start3A_140 = tpu.memref_slice %arg16[%dma_start3A_138, %dma_start3A_139] : memref<5000x256xf32, #tpu.memory_space<vmem_shared>> -> memref<5000x256xf32, #tpu.memory_space<vmem_shared>>
        tpu.enqueue_indirect_dma source(%arg14 : memref<80x256xf32, #tpu.memory_space<vmem>>) target(%dma_start3A_140 : memref<5000x256xf32, #tpu.memory_space<vmem_shared>>) offsets(%arg10 : memref<80xi32, #tpu.memory_space<vmem>>) semaphore(%run_scoped3A : memref<!tpu.dma_semaphore, #tpu.memory_space<semaphore_mem>>) {add = true}
        %dma_wait3A_141 = arith.constant 0 : i32
        %dma_wait3A_142 = arith.constant 0 : i32
        %dma_wait3A_143 = tpu.memref_slice %arg16[%dma_wait3A_141, %dma_wait3A_142] : memref<5000x256xf32, #tpu.memory_space<vmem_shared>> -> memref<5000x256xf32, #tpu.memory_space<vmem_shared>>
        tpu.wait_indirect_dma semaphore(%run_scoped3A : memref<!tpu.dma_semaphore, #tpu.memory_space<semaphore_mem>>) src(%arg14 : memref<80x256xf32, #tpu.memory_space<vmem>>) dst(%dma_wait3A_143 : memref<5000x256xf32, #tpu.memory_space<vmem_shared>>)
        tpu.yield
      }) : () -> ()
      %add3A_110 = arith.constant 2 : i32
      %add3A_111 = arith.addi %add3A_91, %add3A_110 : i32
      %lt3A = arith.constant 125 : i32
      %lt3A_112 = arith.cmpi slt, %add3A_111, %lt3A : i32
      %convert_element_type3A_113 = arith.extui %lt3A_112 : i1 to i32
      %cond3A_114 = arith.constant 0 : i32
      %cond3A_115 = arith.cmpi ne, %convert_element_type3A_113, %cond3A_114 : i32
      scf.if %cond3A_115 {
        %add3A_138 = arith.constant 2 : i32
        %add3A_139 = arith.addi %add3A_91, %add3A_138 : i32
        %mul3A_140 = arith.constant 80 : i32
        %mul3A_141 = arith.muli %add3A_139, %mul3A_140 : i32
        %add3A_142 = arith.addi %mul3A_9, %mul3A_141 : i32
        %eq3A_143 = arith.constant 0 : i32
        %eq3A_144 = arith.cmpi eq, %arg0, %eq3A_143 : i32
        %convert_element_type3A_145 = arith.extui %eq3A_144 : i1 to i32
        %cond3A_146 = arith.constant 0 : i32
        %cond3A_147 = arith.cmpi ne, %convert_element_type3A_145, %cond3A_146 : i32
        scf.if %cond3A_147 {
          %dma_start3A_155 = tpu.memref_slice %arg5[%add3A_142] : memref<160000xi32, #tpu.memory_space<hbm>> -> memref<80xi32, #tpu.memory_space<hbm>>
          %dma_start3A_156 = tpu.memref_slice %arg5[%add3A_142] : memref<160000xi32, #tpu.memory_space<hbm>> -> memref<80xi32, #tpu.memory_space<hbm>>
          tpu.enqueue_dma source(%dma_start3A_156 : memref<80xi32, #tpu.memory_space<hbm>>) target(%arg8 : memref<80xi32, #tpu.memory_space<vmem>>) target_semaphore(%arg18 : memref<!tpu.dma_semaphore, #tpu.memory_space<semaphore_mem>>)
          %dma_start3A_157 = tpu.memref_slice %arg4[%add3A_142] : memref<160000xi32, #tpu.memory_space<hbm>> -> memref<80xi32, #tpu.memory_space<hbm>>
          %dma_start3A_158 = tpu.memref_slice %arg4[%add3A_142] : memref<160000xi32, #tpu.memory_space<hbm>> -> memref<80xi32, #tpu.memory_space<hbm>>
          tpu.enqueue_dma source(%dma_start3A_158 : memref<80xi32, #tpu.memory_space<hbm>>) target(%arg10 : memref<80xi32, #tpu.memory_space<vmem>>) target_semaphore(%arg18 : memref<!tpu.dma_semaphore, #tpu.memory_space<semaphore_mem>>)
        } else {
        }
        %eq3A_148 = arith.constant 1 : i32
        %eq3A_149 = arith.cmpi eq, %arg0, %eq3A_148 : i32
        %convert_element_type3A_150 = arith.extui %eq3A_149 : i1 to i32
        %cond3A_151 = arith.constant 0 : i32
        %cond3A_152 = arith.cmpi ne, %convert_element_type3A_150, %cond3A_151 : i32
        scf.if %cond3A_152 {
          %dma_start3A_155 = tpu.memref_slice %arg4[%add3A_142] : memref<160000xi32, #tpu.memory_space<hbm>> -> memref<80xi32, #tpu.memory_space<hbm>>
          %dma_start3A_156 = tpu.memref_slice %arg4[%add3A_142] : memref<160000xi32, #tpu.memory_space<hbm>> -> memref<80xi32, #tpu.memory_space<hbm>>
          tpu.enqueue_dma source(%dma_start3A_156 : memref<80xi32, #tpu.memory_space<hbm>>) target(%arg8 : memref<80xi32, #tpu.memory_space<vmem>>) target_semaphore(%arg18 : memref<!tpu.dma_semaphore, #tpu.memory_space<semaphore_mem>>)
          %dma_start3A_157 = tpu.memref_slice %arg5[%add3A_142] : memref<160000xi32, #tpu.memory_space<hbm>> -> memref<80xi32, #tpu.memory_space<hbm>>
          %dma_start3A_158 = tpu.memref_slice %arg5[%add3A_142] : memref<160000xi32, #tpu.memory_space<hbm>> -> memref<80xi32, #tpu.memory_space<hbm>>
          tpu.enqueue_dma source(%dma_start3A_158 : memref<80xi32, #tpu.memory_space<hbm>>) target(%arg10 : memref<80xi32, #tpu.memory_space<vmem>>) target_semaphore(%arg18 : memref<!tpu.dma_semaphore, #tpu.memory_space<semaphore_mem>>)
        } else {
        }
        %dma_start3A_153 = tpu.memref_slice %arg6[%add3A_142] : memref<160000xf32, #tpu.memory_space<hbm>> -> memref<80xf32, #tpu.memory_space<hbm>>
        %dma_start3A_154 = tpu.memref_slice %arg6[%add3A_142] : memref<160000xf32, #tpu.memory_space<hbm>> -> memref<80xf32, #tpu.memory_space<hbm>>
        tpu.enqueue_dma source(%dma_start3A_154 : memref<80xf32, #tpu.memory_space<hbm>>) target(%arg12 : memref<80xf32, #tpu.memory_space<vmem>>) target_semaphore(%arg18 : memref<!tpu.dma_semaphore, #tpu.memory_space<semaphore_mem>>)
      } else {
      }
      %dma_wait3A_116 = arith.constant 0 : i32
      %dma_wait3A_117 = arith.constant 0 : i32
      %dma_wait3A_118 = tpu.memref_slice %arg3[%dma_wait3A_116, %dma_wait3A_117] : memref<5000x256xf32, #tpu.memory_space<hbm>> -> memref<5000x256xf32, #tpu.memory_space<hbm>>
      tpu.wait_indirect_dma semaphore(%arg17 : memref<!tpu.dma_semaphore, #tpu.memory_space<semaphore_mem>>) src(%dma_wait3A_118 : memref<5000x256xf32, #tpu.memory_space<hbm>>) dst(%arg15 : memref<80x256xf32, #tpu.memory_space<vmem>>)
      %add3A_119 = arith.constant 2 : i32
      %add3A_120 = arith.addi %add3A_91, %add3A_119 : i32
      %lt3A_121 = arith.constant 125 : i32
      %lt3A_122 = arith.cmpi slt, %add3A_120, %lt3A_121 : i32
      %convert_element_type3A_123 = arith.extui %lt3A_122 : i1 to i32
      %cond3A_124 = arith.constant 0 : i32
      %cond3A_125 = arith.cmpi ne, %convert_element_type3A_123, %cond3A_124 : i32
      scf.if %cond3A_125 {
        %dma_wait3A_138 = arith.constant 0 : i32
        %dma_wait3A_139 = tpu.memref_slice %arg4[%dma_wait3A_138] : memref<160000xi32, #tpu.memory_space<hbm>> -> memref<80xi32, #tpu.memory_space<hbm>>
        %dma_wait3A_140 = arith.constant 0 : i32
        %dma_wait3A_141 = tpu.memref_slice %arg4[%dma_wait3A_140] : memref<160000xi32, #tpu.memory_space<hbm>> -> memref<80xi32, #tpu.memory_space<hbm>>
        tpu.wait_dma2 semaphore(%arg18 : memref<!tpu.dma_semaphore, #tpu.memory_space<semaphore_mem>>) src(%dma_wait3A_141 : memref<80xi32, #tpu.memory_space<hbm>>) dst(%arg8 : memref<80xi32, #tpu.memory_space<vmem>>)
        %dma_wait3A_142 = arith.constant 0 : i32
        %dma_wait3A_143 = tpu.memref_slice %arg4[%dma_wait3A_142] : memref<160000xi32, #tpu.memory_space<hbm>> -> memref<80xi32, #tpu.memory_space<hbm>>
        %dma_wait3A_144 = arith.constant 0 : i32
        %dma_wait3A_145 = tpu.memref_slice %arg4[%dma_wait3A_144] : memref<160000xi32, #tpu.memory_space<hbm>> -> memref<80xi32, #tpu.memory_space<hbm>>
        tpu.wait_dma2 semaphore(%arg18 : memref<!tpu.dma_semaphore, #tpu.memory_space<semaphore_mem>>) src(%dma_wait3A_145 : memref<80xi32, #tpu.memory_space<hbm>>) dst(%arg10 : memref<80xi32, #tpu.memory_space<vmem>>)
        %dma_wait3A_146 = arith.constant 0 : i32
        %dma_wait3A_147 = tpu.memref_slice %arg6[%dma_wait3A_146] : memref<160000xf32, #tpu.memory_space<hbm>> -> memref<80xf32, #tpu.memory_space<hbm>>
        %dma_wait3A_148 = arith.constant 0 : i32
        %dma_wait3A_149 = tpu.memref_slice %arg6[%dma_wait3A_148] : memref<160000xf32, #tpu.memory_space<hbm>> -> memref<80xf32, #tpu.memory_space<hbm>>
        tpu.wait_dma2 semaphore(%arg18 : memref<!tpu.dma_semaphore, #tpu.memory_space<semaphore_mem>>) src(%dma_wait3A_149 : memref<80xf32, #tpu.memory_space<hbm>>) dst(%arg12 : memref<80xf32, #tpu.memory_space<vmem>>)
        %eq3A_150 = arith.constant 0 : i32
        %eq3A_151 = arith.cmpi eq, %arg0, %eq3A_150 : i32
        %convert_element_type3A_152 = arith.extui %eq3A_151 : i1 to i32
        %cond3A_153 = arith.constant 0 : i32
        %cond3A_154 = arith.cmpi ne, %convert_element_type3A_152, %cond3A_153 : i32
        scf.if %cond3A_154 {
          %dma_start3A_160 = arith.constant 0 : i32
          %dma_start3A_161 = arith.constant 0 : i32
          %dma_start3A_162 = tpu.memref_slice %arg3[%dma_start3A_160, %dma_start3A_161] : memref<5000x256xf32, #tpu.memory_space<hbm>> -> memref<5000x256xf32, #tpu.memory_space<hbm>>
          tpu.enqueue_indirect_dma source(%dma_start3A_162 : memref<5000x256xf32, #tpu.memory_space<hbm>>) target(%arg14 : memref<80x256xf32, #tpu.memory_space<vmem>>) offsets(%arg8 : memref<80xi32, #tpu.memory_space<vmem>>) semaphore(%arg17 : memref<!tpu.dma_semaphore, #tpu.memory_space<semaphore_mem>>)
        } else {
        }
        %eq3A_155 = arith.constant 1 : i32
        %eq3A_156 = arith.cmpi eq, %arg0, %eq3A_155 : i32
        %convert_element_type3A_157 = arith.extui %eq3A_156 : i1 to i32
        %cond3A_158 = arith.constant 0 : i32
        %cond3A_159 = arith.cmpi ne, %convert_element_type3A_157, %cond3A_158 : i32
        scf.if %cond3A_159 {
          %dma_start3A_160 = arith.constant 0 : i32
          %dma_start3A_161 = arith.constant 0 : i32
          %dma_start3A_162 = tpu.memref_slice %arg2[%dma_start3A_160, %dma_start3A_161] : memref<5000x256xf32, #tpu.memory_space<hbm>> -> memref<5000x256xf32, #tpu.memory_space<hbm>>
          tpu.enqueue_indirect_dma source(%dma_start3A_162 : memref<5000x256xf32, #tpu.memory_space<hbm>>) target(%arg14 : memref<80x256xf32, #tpu.memory_space<vmem>>) offsets(%arg8 : memref<80xi32, #tpu.memory_space<vmem>>) semaphore(%arg17 : memref<!tpu.dma_semaphore, #tpu.memory_space<semaphore_mem>>)
        } else {
        }
      } else {
      }
      %scan3A_126 = arith.constant 0 : i32
      %scan3A_127 = arith.constant 80 : i32
      %scan3A_128 = arith.addi %scan3A_126, %scan3A_127 : i32
      %scan3A_129 = arith.constant 1 : i32
      scf.for %scan3A_138 = %scan3A_126 to %scan3A_128 step %scan3A_129  : i32 {
        %mul3A_139 = arith.constant 1 : i32
        %mul3A_140 = arith.muli %scan3A_138, %mul3A_139 : i32
        %add3A_141 = arith.constant 0 : i32
        %add3A_142 = arith.addi %add3A_141, %mul3A_140 : i32
        %broadcast_in_dim3A = vector.broadcast %add3A_142 : i32 to vector<16xi32>
        %gather3A = tpu.vector_load_idx %arg13[%broadcast_in_dim3A] : memref<80xf32, #tpu.memory_space<vmem>>[vector<16xi32>], vector<16xf32>,
        %get3A = arith.index_cast %add3A_142 : i32 to index
        %get3A_143 = arith.constant 0 : index
        %get3A_144 = tpu.vector_load %arg15[%get3A, %get3A_143] {strides = array<i32>} : memref<80x256xf32, #tpu.memory_space<vmem>>, vector<16xf32>,
        %mul3A_145 = arith.mulf %get3A_144, %gather3A : vector<16xf32>
        %swap3A = arith.index_cast %add3A_142 : i32 to index
        %swap3A_146 = arith.constant 0 : index
        %swap3A_147 = tpu.vector_load %arg15[%swap3A, %swap3A_146] {strides = array<i32>} : memref<80x256xf32, #tpu.memory_space<vmem>>, vector<16xf32>,
        tpu.vector_store %arg15[%swap3A, %swap3A_146], %mul3A_145 {strides = array<i32>} : memref<80x256xf32, #tpu.memory_space<vmem>>, vector<16xf32>,
        %get3A_148 = arith.index_cast %add3A_142 : i32 to index
        %get3A_149 = arith.constant 16 : index
        %get3A_150 = tpu.vector_load %arg15[%get3A_148, %get3A_149] {strides = array<i32>} : memref<80x256xf32, #tpu.memory_space<vmem>>, vector<16xf32>,
        %mul3A_151 = arith.mulf %get3A_150, %gather3A : vector<16xf32>
        %swap3A_152 = arith.index_cast %add3A_142 : i32 to index
        %swap3A_153 = arith.constant 16 : index
        %swap3A_154 = tpu.vector_load %arg15[%swap3A_152, %swap3A_153] {strides = array<i32>} : memref<80x256xf32, #tpu.memory_space<vmem>>, vector<16xf32>,
        tpu.vector_store %arg15[%swap3A_152, %swap3A_153], %mul3A_151 {strides = array<i32>} : memref<80x256xf32, #tpu.memory_space<vmem>>, vector<16xf32>,
        %get3A_155 = arith.index_cast %add3A_142 : i32 to index
        %get3A_156 = arith.constant 32 : index
        %get3A_157 = tpu.vector_load %arg15[%get3A_155, %get3A_156] {strides = array<i32>} : memref<80x256xf32, #tpu.memory_space<vmem>>, vector<16xf32>,
        %mul3A_158 = arith.mulf %get3A_157, %gather3A : vector<16xf32>
        %swap3A_159 = arith.index_cast %add3A_142 : i32 to index
        %swap3A_160 = arith.constant 32 : index
        %swap3A_161 = tpu.vector_load %arg15[%swap3A_159, %swap3A_160] {strides = array<i32>} : memref<80x256xf32, #tpu.memory_space<vmem>>, vector<16xf32>,
        tpu.vector_store %arg15[%swap3A_159, %swap3A_160], %mul3A_158 {strides = array<i32>} : memref<80x256xf32, #tpu.memory_space<vmem>>, vector<16xf32>,
        %get3A_162 = arith.index_cast %add3A_142 : i32 to index
        %get3A_163 = arith.constant 48 : index
        %get3A_164 = tpu.vector_load %arg15[%get3A_162, %get3A_163] {strides = array<i32>} : memref<80x256xf32, #tpu.memory_space<vmem>>, vector<16xf32>,
        %mul3A_165 = arith.mulf %get3A_164, %gather3A : vector<16xf32>
        %swap3A_166 = arith.index_cast %add3A_142 : i32 to index
        %swap3A_167 = arith.constant 48 : index
        %swap3A_168 = tpu.vector_load %arg15[%swap3A_166, %swap3A_167] {strides = array<i32>} : memref<80x256xf32, #tpu.memory_space<vmem>>, vector<16xf32>,
        tpu.vector_store %arg15[%swap3A_166, %swap3A_167], %mul3A_165 {strides = array<i32>} : memref<80x256xf32, #tpu.memory_space<vmem>>, vector<16xf32>,
        %get3A_169 = arith.index_cast %add3A_142 : i32 to index
        %get3A_170 = arith.constant 64 : index
        %get3A_171 = tpu.vector_load %arg15[%get3A_169, %get3A_170] {strides = array<i32>} : memref<80x256xf32, #tpu.memory_space<vmem>>, vector<16xf32>,
        %mul3A_172 = arith.mulf %get3A_171, %gather3A : vector<16xf32>
        %swap3A_173 = arith.index_cast %add3A_142 : i32 to index
        %swap3A_174 = arith.constant 64 : index
        %swap3A_175 = tpu.vector_load %arg15[%swap3A_173, %swap3A_174] {strides = array<i32>} : memref<80x256xf32, #tpu.memory_space<vmem>>, vector<16xf32>,
        tpu.vector_store %arg15[%swap3A_173, %swap3A_174], %mul3A_172 {strides = array<i32>} : memref<80x256xf32, #tpu.memory_space<vmem>>, vector<16xf32>,
        %get3A_176 = arith.index_cast %add3A_142 : i32 to index
        %get3A_177 = arith.constant 80 : index
        %get3A_178 = tpu.vector_load %arg15[%get3A_176, %get3A_177] {strides = array<i32>} : memref<80x256xf32, #tpu.memory_space<vmem>>, vector<16xf32>,
        %mul3A_179 = arith.mulf %get3A_178, %gather3A : vector<16xf32>
        %swap3A_180 = arith.index_cast %add3A_142 : i32 to index
        %swap3A_181 = arith.constant 80 : index
        %swap3A_182 = tpu.vector_load %arg15[%swap3A_180, %swap3A_181] {strides = array<i32>} : memref<80x256xf32, #tpu.memory_space<vmem>>, vector<16xf32>,
        tpu.vector_store %arg15[%swap3A_180, %swap3A_181], %mul3A_179 {strides = array<i32>} : memref<80x256xf32, #tpu.memory_space<vmem>>, vector<16xf32>,
        %get3A_183 = arith.index_cast %add3A_142 : i32 to index
        %get3A_184 = arith.constant 96 : index
        %get3A_185 = tpu.vector_load %arg15[%get3A_183, %get3A_184] {strides = array<i32>} : memref<80x256xf32, #tpu.memory_space<vmem>>, vector<16xf32>,
        %mul3A_186 = arith.mulf %get3A_185, %gather3A : vector<16xf32>
        %swap3A_187 = arith.index_cast %add3A_142 : i32 to index
        %swap3A_188 = arith.constant 96 : index
        %swap3A_189 = tpu.vector_load %arg15[%swap3A_187, %swap3A_188] {strides = array<i32>} : memref<80x256xf32, #tpu.memory_space<vmem>>, vector<16xf32>,
        tpu.vector_store %arg15[%swap3A_187, %swap3A_188], %mul3A_186 {strides = array<i32>} : memref<80x256xf32, #tpu.memory_space<vmem>>, vector<16xf32>,
        %get3A_190 = arith.index_cast %add3A_142 : i32 to index
        %get3A_191 = arith.constant 112 : index
        %get3A_192 = tpu.vector_load %arg15[%get3A_190, %get3A_191] {strides = array<i32>} : memref<80x256xf32, #tpu.memory_space<vmem>>, vector<16xf32>,
        %mul3A_193 = arith.mulf %get3A_192, %gather3A : vector<16xf32>
        %swap3A_194 = arith.index_cast %add3A_142 : i32 to index
        %swap3A_195 = arith.constant 112 : index
        %swap3A_196 = tpu.vector_load %arg15[%swap3A_194, %swap3A_195] {strides = array<i32>} : memref<80x256xf32, #tpu.memory_space<vmem>>, vector<16xf32>,
        tpu.vector_store %arg15[%swap3A_194, %swap3A_195], %mul3A_193 {strides = array<i32>} : memref<80x256xf32, #tpu.memory_space<vmem>>, vector<16xf32>,
        %get3A_197 = arith.index_cast %add3A_142 : i32 to index
        %get3A_198 = arith.constant 128 : index
        %get3A_199 = tpu.vector_load %arg15[%get3A_197, %get3A_198] {strides = array<i32>} : memref<80x256xf32, #tpu.memory_space<vmem>>, vector<16xf32>,
        %mul3A_200 = arith.mulf %get3A_199, %gather3A : vector<16xf32>
        %swap3A_201 = arith.index_cast %add3A_142 : i32 to index
        %swap3A_202 = arith.constant 128 : index
        %swap3A_203 = tpu.vector_load %arg15[%swap3A_201, %swap3A_202] {strides = array<i32>} : memref<80x256xf32, #tpu.memory_space<vmem>>, vector<16xf32>,
        tpu.vector_store %arg15[%swap3A_201, %swap3A_202], %mul3A_200 {strides = array<i32>} : memref<80x256xf32, #tpu.memory_space<vmem>>, vector<16xf32>,
        %get3A_204 = arith.index_cast %add3A_142 : i32 to index
        %get3A_205 = arith.constant 144 : index
        %get3A_206 = tpu.vector_load %arg15[%get3A_204, %get3A_205] {strides = array<i32>} : memref<80x256xf32, #tpu.memory_space<vmem>>, vector<16xf32>,
        %mul3A_207 = arith.mulf %get3A_206, %gather3A : vector<16xf32>
        %swap3A_208 = arith.index_cast %add3A_142 : i32 to index
        %swap3A_209 = arith.constant 144 : index
        %swap3A_210 = tpu.vector_load %arg15[%swap3A_208, %swap3A_209] {strides = array<i32>} : memref<80x256xf32, #tpu.memory_space<vmem>>, vector<16xf32>,
        tpu.vector_store %arg15[%swap3A_208, %swap3A_209], %mul3A_207 {strides = array<i32>} : memref<80x256xf32, #tpu.memory_space<vmem>>, vector<16xf32>,
        %get3A_211 = arith.index_cast %add3A_142 : i32 to index
        %get3A_212 = arith.constant 160 : index
        %get3A_213 = tpu.vector_load %arg15[%get3A_211, %get3A_212] {strides = array<i32>} : memref<80x256xf32, #tpu.memory_space<vmem>>, vector<16xf32>,
        %mul3A_214 = arith.mulf %get3A_213, %gather3A : vector<16xf32>
        %swap3A_215 = arith.index_cast %add3A_142 : i32 to index
        %swap3A_216 = arith.constant 160 : index
        %swap3A_217 = tpu.vector_load %arg15[%swap3A_215, %swap3A_216] {strides = array<i32>} : memref<80x256xf32, #tpu.memory_space<vmem>>, vector<16xf32>,
        tpu.vector_store %arg15[%swap3A_215, %swap3A_216], %mul3A_214 {strides = array<i32>} : memref<80x256xf32, #tpu.memory_space<vmem>>, vector<16xf32>,
        %get3A_218 = arith.index_cast %add3A_142 : i32 to index
        %get3A_219 = arith.constant 176 : index
        %get3A_220 = tpu.vector_load %arg15[%get3A_218, %get3A_219] {strides = array<i32>} : memref<80x256xf32, #tpu.memory_space<vmem>>, vector<16xf32>,
        %mul3A_221 = arith.mulf %get3A_220, %gather3A : vector<16xf32>
        %swap3A_222 = arith.index_cast %add3A_142 : i32 to index
        %swap3A_223 = arith.constant 176 : index
        %swap3A_224 = tpu.vector_load %arg15[%swap3A_222, %swap3A_223] {strides = array<i32>} : memref<80x256xf32, #tpu.memory_space<vmem>>, vector<16xf32>,
        tpu.vector_store %arg15[%swap3A_222, %swap3A_223], %mul3A_221 {strides = array<i32>} : memref<80x256xf32, #tpu.memory_space<vmem>>, vector<16xf32>,
        %get3A_225 = arith.index_cast %add3A_142 : i32 to index
        %get3A_226 = arith.constant 192 : index
        %get3A_227 = tpu.vector_load %arg15[%get3A_225, %get3A_226] {strides = array<i32>} : memref<80x256xf32, #tpu.memory_space<vmem>>, vector<16xf32>,
        %mul3A_228 = arith.mulf %get3A_227, %gather3A : vector<16xf32>
        %swap3A_229 = arith.index_cast %add3A_142 : i32 to index
        %swap3A_230 = arith.constant 192 : index
        %swap3A_231 = tpu.vector_load %arg15[%swap3A_229, %swap3A_230] {strides = array<i32>} : memref<80x256xf32, #tpu.memory_space<vmem>>, vector<16xf32>,
        tpu.vector_store %arg15[%swap3A_229, %swap3A_230], %mul3A_228 {strides = array<i32>} : memref<80x256xf32, #tpu.memory_space<vmem>>, vector<16xf32>,
        %get3A_232 = arith.index_cast %add3A_142 : i32 to index
        %get3A_233 = arith.constant 208 : index
        %get3A_234 = tpu.vector_load %arg15[%get3A_232, %get3A_233] {strides = array<i32>} : memref<80x256xf32, #tpu.memory_space<vmem>>, vector<16xf32>,
        %mul3A_235 = arith.mulf %get3A_234, %gather3A : vector<16xf32>
        %swap3A_236 = arith.index_cast %add3A_142 : i32 to index
        %swap3A_237 = arith.constant 208 : index
        %swap3A_238 = tpu.vector_load %arg15[%swap3A_236, %swap3A_237] {strides = array<i32>} : memref<80x256xf32, #tpu.memory_space<vmem>>, vector<16xf32>,
        tpu.vector_store %arg15[%swap3A_236, %swap3A_237], %mul3A_235 {strides = array<i32>} : memref<80x256xf32, #tpu.memory_space<vmem>>, vector<16xf32>,
        %get3A_239 = arith.index_cast %add3A_142 : i32 to index
        %get3A_240 = arith.constant 224 : index
        %get3A_241 = tpu.vector_load %arg15[%get3A_239, %get3A_240] {strides = array<i32>} : memref<80x256xf32, #tpu.memory_space<vmem>>, vector<16xf32>,
        %mul3A_242 = arith.mulf %get3A_241, %gather3A : vector<16xf32>
        %swap3A_243 = arith.index_cast %add3A_142 : i32 to index
        %swap3A_244 = arith.constant 224 : index
        %swap3A_245 = tpu.vector_load %arg15[%swap3A_243, %swap3A_244] {strides = array<i32>} : memref<80x256xf32, #tpu.memory_space<vmem>>, vector<16xf32>,
        tpu.vector_store %arg15[%swap3A_243, %swap3A_244], %mul3A_242 {strides = array<i32>} : memref<80x256xf32, #tpu.memory_space<vmem>>, vector<16xf32>,
        %get3A_246 = arith.index_cast %add3A_142 : i32 to index
        %get3A_247 = arith.constant 240 : index
        %get3A_248 = tpu.vector_load %arg15[%get3A_246, %get3A_247] {strides = array<i32>} : memref<80x256xf32, #tpu.memory_space<vmem>>, vector<16xf32>,
        %mul3A_249 = arith.mulf %get3A_248, %gather3A : vector<16xf32>
        %swap3A_250 = arith.index_cast %add3A_142 : i32 to index
        %swap3A_251 = arith.constant 240 : index
        %swap3A_252 = tpu.vector_load %arg15[%swap3A_250, %swap3A_251] {strides = array<i32>} : memref<80x256xf32, #tpu.memory_space<vmem>>, vector<16xf32>,
        tpu.vector_store %arg15[%swap3A_250, %swap3A_251], %mul3A_249 {strides = array<i32>} : memref<80x256xf32, #tpu.memory_space<vmem>>, vector<16xf32>,
      }
      %scan3A_130 = arith.constant 80 : i32
      "tpu.region"() ({
        %run_scoped3A = tpu.sem_alloc : memref<!tpu.dma_semaphore, #tpu.memory_space<semaphore_mem>>
        %dma_start3A_138 = arith.constant 0 : i32
        %dma_start3A_139 = arith.constant 0 : i32
        %dma_start3A_140 = tpu.memref_slice %arg16[%dma_start3A_138, %dma_start3A_139] : memref<5000x256xf32, #tpu.memory_space<vmem_shared>> -> memref<5000x256xf32, #tpu.memory_space<vmem_shared>>
        tpu.enqueue_indirect_dma source(%arg15 : memref<80x256xf32, #tpu.memory_space<vmem>>) target(%dma_start3A_140 : memref<5000x256xf32, #tpu.memory_space<vmem_shared>>) offsets(%arg11 : memref<80xi32, #tpu.memory_space<vmem>>) semaphore(%run_scoped3A : memref<!tpu.dma_semaphore, #tpu.memory_space<semaphore_mem>>) {add = true}
        %dma_wait3A_141 = arith.constant 0 : i32
        %dma_wait3A_142 = arith.constant 0 : i32
        %dma_wait3A_143 = tpu.memref_slice %arg16[%dma_wait3A_141, %dma_wait3A_142] : memref<5000x256xf32, #tpu.memory_space<vmem_shared>> -> memref<5000x256xf32, #tpu.memory_space<vmem_shared>>
        tpu.wait_indirect_dma semaphore(%run_scoped3A : memref<!tpu.dma_semaphore, #tpu.memory_space<semaphore_mem>>) src(%arg15 : memref<80x256xf32, #tpu.memory_space<vmem>>) dst(%dma_wait3A_143 : memref<5000x256xf32, #tpu.memory_space<vmem_shared>>)
        tpu.yield
      }) : () -> ()
      %add3A_131 = arith.constant 3 : i32
      %add3A_132 = arith.addi %add3A_91, %add3A_131 : i32
      %lt3A_133 = arith.constant 125 : i32
      %lt3A_134 = arith.cmpi slt, %add3A_132, %lt3A_133 : i32
      %convert_element_type3A_135 = arith.extui %lt3A_134 : i1 to i32
      %cond3A_136 = arith.constant 0 : i32
      %cond3A_137 = arith.cmpi ne, %convert_element_type3A_135, %cond3A_136 : i32
      scf.if %cond3A_137 {
        %add3A_138 = arith.constant 3 : i32
        %add3A_139 = arith.addi %add3A_91, %add3A_138 : i32
        %mul3A_140 = arith.constant 80 : i32
        %mul3A_141 = arith.muli %add3A_139, %mul3A_140 : i32
        %add3A_142 = arith.addi %mul3A_9, %mul3A_141 : i32
        %eq3A_143 = arith.constant 0 : i32
        %eq3A_144 = arith.cmpi eq, %arg0, %eq3A_143 : i32
        %convert_element_type3A_145 = arith.extui %eq3A_144 : i1 to i32
        %cond3A_146 = arith.constant 0 : i32
        %cond3A_147 = arith.cmpi ne, %convert_element_type3A_145, %cond3A_146 : i32
        scf.if %cond3A_147 {
          %dma_start3A_167 = tpu.memref_slice %arg5[%add3A_142] : memref<160000xi32, #tpu.memory_space<hbm>> -> memref<80xi32, #tpu.memory_space<hbm>>
          %dma_start3A_168 = tpu.memref_slice %arg5[%add3A_142] : memref<160000xi32, #tpu.memory_space<hbm>> -> memref<80xi32, #tpu.memory_space<hbm>>
          tpu.enqueue_dma source(%dma_start3A_168 : memref<80xi32, #tpu.memory_space<hbm>>) target(%arg9 : memref<80xi32, #tpu.memory_space<vmem>>) target_semaphore(%arg18 : memref<!tpu.dma_semaphore, #tpu.memory_space<semaphore_mem>>)
          %dma_start3A_169 = tpu.memref_slice %arg4[%add3A_142] : memref<160000xi32, #tpu.memory_space<hbm>> -> memref<80xi32, #tpu.memory_space<hbm>>
          %dma_start3A_170 = tpu.memref_slice %arg4[%add3A_142] : memref<160000xi32, #tpu.memory_space<hbm>> -> memref<80xi32, #tpu.memory_space<hbm>>
          tpu.enqueue_dma source(%dma_start3A_170 : memref<80xi32, #tpu.memory_space<hbm>>) target(%arg11 : memref<80xi32, #tpu.memory_space<vmem>>) target_semaphore(%arg18 : memref<!tpu.dma_semaphore, #tpu.memory_space<semaphore_mem>>)
        } else {
        }
        %eq3A_148 = arith.constant 1 : i32
        %eq3A_149 = arith.cmpi eq, %arg0, %eq3A_148 : i32
        %convert_element_type3A_150 = arith.extui %eq3A_149 : i1 to i32
        %cond3A_151 = arith.constant 0 : i32
        %cond3A_152 = arith.cmpi ne, %convert_element_type3A_150, %cond3A_151 : i32
        scf.if %cond3A_152 {
          %dma_start3A_167 = tpu.memref_slice %arg4[%add3A_142] : memref<160000xi32, #tpu.memory_space<hbm>> -> memref<80xi32, #tpu.memory_space<hbm>>
          %dma_start3A_168 = tpu.memref_slice %arg4[%add3A_142] : memref<160000xi32, #tpu.memory_space<hbm>> -> memref<80xi32, #tpu.memory_space<hbm>>
          tpu.enqueue_dma source(%dma_start3A_168 : memref<80xi32, #tpu.memory_space<hbm>>) target(%arg9 : memref<80xi32, #tpu.memory_space<vmem>>) target_semaphore(%arg18 : memref<!tpu.dma_semaphore, #tpu.memory_space<semaphore_mem>>)
          %dma_start3A_169 = tpu.memref_slice %arg5[%add3A_142] : memref<160000xi32, #tpu.memory_space<hbm>> -> memref<80xi32, #tpu.memory_space<hbm>>
          %dma_start3A_170 = tpu.memref_slice %arg5[%add3A_142] : memref<160000xi32, #tpu.memory_space<hbm>> -> memref<80xi32, #tpu.memory_space<hbm>>
          tpu.enqueue_dma source(%dma_start3A_170 : memref<80xi32, #tpu.memory_space<hbm>>) target(%arg11 : memref<80xi32, #tpu.memory_space<vmem>>) target_semaphore(%arg18 : memref<!tpu.dma_semaphore, #tpu.memory_space<semaphore_mem>>)
        } else {
        }
        %dma_start3A_153 = tpu.memref_slice %arg6[%add3A_142] : memref<160000xf32, #tpu.memory_space<hbm>> -> memref<80xf32, #tpu.memory_space<hbm>>
        %dma_start3A_154 = tpu.memref_slice %arg6[%add3A_142] : memref<160000xf32, #tpu.memory_space<hbm>> -> memref<80xf32, #tpu.memory_space<hbm>>
        tpu.enqueue_dma source(%dma_start3A_154 : memref<80xf32, #tpu.memory_space<hbm>>) target(%arg13 : memref<80xf32, #tpu.memory_space<vmem>>) target_semaphore(%arg18 : memref<!tpu.dma_semaphore, #tpu.memory_space<semaphore_mem>>)
        %dma_wait3A_155 = arith.constant 0 : i32
        %dma_wait3A_156 = tpu.memref_slice %arg4[%dma_wait3A_155] : memref<160000xi32, #tpu.memory_space<hbm>> -> memref<80xi32, #tpu.memory_space<hbm>>
        %dma_wait3A_157 = arith.constant 0 : i32
        %dma_wait3A_158 = tpu.memref_slice %arg4[%dma_wait3A_157] : memref<160000xi32, #tpu.memory_space<hbm>> -> memref<80xi32, #tpu.memory_space<hbm>>
        tpu.wait_dma2 semaphore(%arg18 : memref<!tpu.dma_semaphore, #tpu.memory_space<semaphore_mem>>) src(%dma_wait3A_158 : memref<80xi32, #tpu.memory_space<hbm>>) dst(%arg9 : memref<80xi32, #tpu.memory_space<vmem>>)
        %dma_wait3A_159 = arith.constant 0 : i32
        %dma_wait3A_160 = tpu.memref_slice %arg4[%dma_wait3A_159] : memref<160000xi32, #tpu.memory_space<hbm>> -> memref<80xi32, #tpu.memory_space<hbm>>
        %dma_wait3A_161 = arith.constant 0 : i32
        %dma_wait3A_162 = tpu.memref_slice %arg4[%dma_wait3A_161] : memref<160000xi32, #tpu.memory_space<hbm>> -> memref<80xi32, #tpu.memory_space<hbm>>
        tpu.wait_dma2 semaphore(%arg18 : memref<!tpu.dma_semaphore, #tpu.memory_space<semaphore_mem>>) src(%dma_wait3A_162 : memref<80xi32, #tpu.memory_space<hbm>>) dst(%arg11 : memref<80xi32, #tpu.memory_space<vmem>>)
        %dma_wait3A_163 = arith.constant 0 : i32
        %dma_wait3A_164 = tpu.memref_slice %arg6[%dma_wait3A_163] : memref<160000xf32, #tpu.memory_space<hbm>> -> memref<80xf32, #tpu.memory_space<hbm>>
        %dma_wait3A_165 = arith.constant 0 : i32
        %dma_wait3A_166 = tpu.memref_slice %arg6[%dma_wait3A_165] : memref<160000xf32, #tpu.memory_space<hbm>> -> memref<80xf32, #tpu.memory_space<hbm>>
        tpu.wait_dma2 semaphore(%arg18 : memref<!tpu.dma_semaphore, #tpu.memory_space<semaphore_mem>>) src(%dma_wait3A_166 : memref<80xf32, #tpu.memory_space<hbm>>) dst(%arg13 : memref<80xf32, #tpu.memory_space<vmem>>)
      } else {
      }
    }
    %scan3A_72 = arith.constant 62 : i32
    %dma_wait3A_73 = arith.constant 0 : i32
    %dma_wait3A_74 = arith.constant 0 : i32
    %dma_wait3A_75 = tpu.memref_slice %arg3[%dma_wait3A_73, %dma_wait3A_74] : memref<5000x256xf32, #tpu.memory_space<hbm>> -> memref<5000x256xf32, #tpu.memory_space<hbm>>
    tpu.wait_indirect_dma semaphore(%arg17 : memref<!tpu.dma_semaphore, #tpu.memory_space<semaphore_mem>>) src(%dma_wait3A_75 : memref<5000x256xf32, #tpu.memory_space<hbm>>) dst(%arg14 : memref<80x256xf32, #tpu.memory_space<vmem>>)
    %scan3A_76 = arith.constant 0 : i32
    %scan3A_77 = arith.constant 80 : i32
    %scan3A_78 = arith.addi %scan3A_76, %scan3A_77 : i32
    %scan3A_79 = arith.constant 1 : i32
    scf.for %scan3A_87 = %scan3A_76 to %scan3A_78 step %scan3A_79  : i32 {
      %mul3A_88 = arith.constant 1 : i32
      %mul3A_89 = arith.muli %scan3A_87, %mul3A_88 : i32
      %add3A_90 = arith.constant 0 : i32
      %add3A_91 = arith.addi %add3A_90, %mul3A_89 : i32
      %broadcast_in_dim3A = vector.broadcast %add3A_91 : i32 to vector<16xi32>
      %gather3A = tpu.vector_load_idx %arg12[%broadcast_in_dim3A] : memref<80xf32, #tpu.memory_space<vmem>>[vector<16xi32>], vector<16xf32>,
      %get3A = arith.index_cast %add3A_91 : i32 to index
      %get3A_92 = arith.constant 0 : index
      %get3A_93 = tpu.vector_load %arg14[%get3A, %get3A_92] {strides = array<i32>} : memref<80x256xf32, #tpu.memory_space<vmem>>, vector<16xf32>,
      %mul3A_94 = arith.mulf %get3A_93, %gather3A : vector<16xf32>
      %swap3A = arith.index_cast %add3A_91 : i32 to index
      %swap3A_95 = arith.constant 0 : index
      %swap3A_96 = tpu.vector_load %arg14[%swap3A, %swap3A_95] {strides = array<i32>} : memref<80x256xf32, #tpu.memory_space<vmem>>, vector<16xf32>,
      tpu.vector_store %arg14[%swap3A, %swap3A_95], %mul3A_94 {strides = array<i32>} : memref<80x256xf32, #tpu.memory_space<vmem>>, vector<16xf32>,
      %get3A_97 = arith.index_cast %add3A_91 : i32 to index
      %get3A_98 = arith.constant 16 : index
      %get3A_99 = tpu.vector_load %arg14[%get3A_97, %get3A_98] {strides = array<i32>} : memref<80x256xf32, #tpu.memory_space<vmem>>, vector<16xf32>,
      %mul3A_100 = arith.mulf %get3A_99, %gather3A : vector<16xf32>
      %swap3A_101 = arith.index_cast %add3A_91 : i32 to index
      %swap3A_102 = arith.constant 16 : index
      %swap3A_103 = tpu.vector_load %arg14[%swap3A_101, %swap3A_102] {strides = array<i32>} : memref<80x256xf32, #tpu.memory_space<vmem>>, vector<16xf32>,
      tpu.vector_store %arg14[%swap3A_101, %swap3A_102], %mul3A_100 {strides = array<i32>} : memref<80x256xf32, #tpu.memory_space<vmem>>, vector<16xf32>,
      %get3A_104 = arith.index_cast %add3A_91 : i32 to index
      %get3A_105 = arith.constant 32 : index
      %get3A_106 = tpu.vector_load %arg14[%get3A_104, %get3A_105] {strides = array<i32>} : memref<80x256xf32, #tpu.memory_space<vmem>>, vector<16xf32>,
      %mul3A_107 = arith.mulf %get3A_106, %gather3A : vector<16xf32>
      %swap3A_108 = arith.index_cast %add3A_91 : i32 to index
      %swap3A_109 = arith.constant 32 : index
      %swap3A_110 = tpu.vector_load %arg14[%swap3A_108, %swap3A_109] {strides = array<i32>} : memref<80x256xf32, #tpu.memory_space<vmem>>, vector<16xf32>,
      tpu.vector_store %arg14[%swap3A_108, %swap3A_109], %mul3A_107 {strides = array<i32>} : memref<80x256xf32, #tpu.memory_space<vmem>>, vector<16xf32>,
      %get3A_111 = arith.index_cast %add3A_91 : i32 to index
      %get3A_112 = arith.constant 48 : index
      %get3A_113 = tpu.vector_load %arg14[%get3A_111, %get3A_112] {strides = array<i32>} : memref<80x256xf32, #tpu.memory_space<vmem>>, vector<16xf32>,
      %mul3A_114 = arith.mulf %get3A_113, %gather3A : vector<16xf32>
      %swap3A_115 = arith.index_cast %add3A_91 : i32 to index
      %swap3A_116 = arith.constant 48 : index
      %swap3A_117 = tpu.vector_load %arg14[%swap3A_115, %swap3A_116] {strides = array<i32>} : memref<80x256xf32, #tpu.memory_space<vmem>>, vector<16xf32>,
      tpu.vector_store %arg14[%swap3A_115, %swap3A_116], %mul3A_114 {strides = array<i32>} : memref<80x256xf32, #tpu.memory_space<vmem>>, vector<16xf32>,
      %get3A_118 = arith.index_cast %add3A_91 : i32 to index
      %get3A_119 = arith.constant 64 : index
      %get3A_120 = tpu.vector_load %arg14[%get3A_118, %get3A_119] {strides = array<i32>} : memref<80x256xf32, #tpu.memory_space<vmem>>, vector<16xf32>,
      %mul3A_121 = arith.mulf %get3A_120, %gather3A : vector<16xf32>
      %swap3A_122 = arith.index_cast %add3A_91 : i32 to index
      %swap3A_123 = arith.constant 64 : index
      %swap3A_124 = tpu.vector_load %arg14[%swap3A_122, %swap3A_123] {strides = array<i32>} : memref<80x256xf32, #tpu.memory_space<vmem>>, vector<16xf32>,
      tpu.vector_store %arg14[%swap3A_122, %swap3A_123], %mul3A_121 {strides = array<i32>} : memref<80x256xf32, #tpu.memory_space<vmem>>, vector<16xf32>,
      %get3A_125 = arith.index_cast %add3A_91 : i32 to index
      %get3A_126 = arith.constant 80 : index
      %get3A_127 = tpu.vector_load %arg14[%get3A_125, %get3A_126] {strides = array<i32>} : memref<80x256xf32, #tpu.memory_space<vmem>>, vector<16xf32>,
      %mul3A_128 = arith.mulf %get3A_127, %gather3A : vector<16xf32>
      %swap3A_129 = arith.index_cast %add3A_91 : i32 to index
      %swap3A_130 = arith.constant 80 : index
      %swap3A_131 = tpu.vector_load %arg14[%swap3A_129, %swap3A_130] {strides = array<i32>} : memref<80x256xf32, #tpu.memory_space<vmem>>, vector<16xf32>,
      tpu.vector_store %arg14[%swap3A_129, %swap3A_130], %mul3A_128 {strides = array<i32>} : memref<80x256xf32, #tpu.memory_space<vmem>>, vector<16xf32>,
      %get3A_132 = arith.index_cast %add3A_91 : i32 to index
      %get3A_133 = arith.constant 96 : index
      %get3A_134 = tpu.vector_load %arg14[%get3A_132, %get3A_133] {strides = array<i32>} : memref<80x256xf32, #tpu.memory_space<vmem>>, vector<16xf32>,
      %mul3A_135 = arith.mulf %get3A_134, %gather3A : vector<16xf32>
      %swap3A_136 = arith.index_cast %add3A_91 : i32 to index
      %swap3A_137 = arith.constant 96 : index
      %swap3A_138 = tpu.vector_load %arg14[%swap3A_136, %swap3A_137] {strides = array<i32>} : memref<80x256xf32, #tpu.memory_space<vmem>>, vector<16xf32>,
      tpu.vector_store %arg14[%swap3A_136, %swap3A_137], %mul3A_135 {strides = array<i32>} : memref<80x256xf32, #tpu.memory_space<vmem>>, vector<16xf32>,
      %get3A_139 = arith.index_cast %add3A_91 : i32 to index
      %get3A_140 = arith.constant 112 : index
      %get3A_141 = tpu.vector_load %arg14[%get3A_139, %get3A_140] {strides = array<i32>} : memref<80x256xf32, #tpu.memory_space<vmem>>, vector<16xf32>,
      %mul3A_142 = arith.mulf %get3A_141, %gather3A : vector<16xf32>
      %swap3A_143 = arith.index_cast %add3A_91 : i32 to index
      %swap3A_144 = arith.constant 112 : index
      %swap3A_145 = tpu.vector_load %arg14[%swap3A_143, %swap3A_144] {strides = array<i32>} : memref<80x256xf32, #tpu.memory_space<vmem>>, vector<16xf32>,
      tpu.vector_store %arg14[%swap3A_143, %swap3A_144], %mul3A_142 {strides = array<i32>} : memref<80x256xf32, #tpu.memory_space<vmem>>, vector<16xf32>,
      %get3A_146 = arith.index_cast %add3A_91 : i32 to index
      %get3A_147 = arith.constant 128 : index
      %get3A_148 = tpu.vector_load %arg14[%get3A_146, %get3A_147] {strides = array<i32>} : memref<80x256xf32, #tpu.memory_space<vmem>>, vector<16xf32>,
      %mul3A_149 = arith.mulf %get3A_148, %gather3A : vector<16xf32>
      %swap3A_150 = arith.index_cast %add3A_91 : i32 to index
      %swap3A_151 = arith.constant 128 : index
      %swap3A_152 = tpu.vector_load %arg14[%swap3A_150, %swap3A_151] {strides = array<i32>} : memref<80x256xf32, #tpu.memory_space<vmem>>, vector<16xf32>,
      tpu.vector_store %arg14[%swap3A_150, %swap3A_151], %mul3A_149 {strides = array<i32>} : memref<80x256xf32, #tpu.memory_space<vmem>>, vector<16xf32>,
      %get3A_153 = arith.index_cast %add3A_91 : i32 to index
      %get3A_154 = arith.constant 144 : index
      %get3A_155 = tpu.vector_load %arg14[%get3A_153, %get3A_154] {strides = array<i32>} : memref<80x256xf32, #tpu.memory_space<vmem>>, vector<16xf32>,
      %mul3A_156 = arith.mulf %get3A_155, %gather3A : vector<16xf32>
      %swap3A_157 = arith.index_cast %add3A_91 : i32 to index
      %swap3A_158 = arith.constant 144 : index
      %swap3A_159 = tpu.vector_load %arg14[%swap3A_157, %swap3A_158] {strides = array<i32>} : memref<80x256xf32, #tpu.memory_space<vmem>>, vector<16xf32>,
      tpu.vector_store %arg14[%swap3A_157, %swap3A_158], %mul3A_156 {strides = array<i32>} : memref<80x256xf32, #tpu.memory_space<vmem>>, vector<16xf32>,
      %get3A_160 = arith.index_cast %add3A_91 : i32 to index
      %get3A_161 = arith.constant 160 : index
      %get3A_162 = tpu.vector_load %arg14[%get3A_160, %get3A_161] {strides = array<i32>} : memref<80x256xf32, #tpu.memory_space<vmem>>, vector<16xf32>,
      %mul3A_163 = arith.mulf %get3A_162, %gather3A : vector<16xf32>
      %swap3A_164 = arith.index_cast %add3A_91 : i32 to index
      %swap3A_165 = arith.constant 160 : index
      %swap3A_166 = tpu.vector_load %arg14[%swap3A_164, %swap3A_165] {strides = array<i32>} : memref<80x256xf32, #tpu.memory_space<vmem>>, vector<16xf32>,
      tpu.vector_store %arg14[%swap3A_164, %swap3A_165], %mul3A_163 {strides = array<i32>} : memref<80x256xf32, #tpu.memory_space<vmem>>, vector<16xf32>,
      %get3A_167 = arith.index_cast %add3A_91 : i32 to index
      %get3A_168 = arith.constant 176 : index
      %get3A_169 = tpu.vector_load %arg14[%get3A_167, %get3A_168] {strides = array<i32>} : memref<80x256xf32, #tpu.memory_space<vmem>>, vector<16xf32>,
      %mul3A_170 = arith.mulf %get3A_169, %gather3A : vector<16xf32>
      %swap3A_171 = arith.index_cast %add3A_91 : i32 to index
      %swap3A_172 = arith.constant 176 : index
      %swap3A_173 = tpu.vector_load %arg14[%swap3A_171, %swap3A_172] {strides = array<i32>} : memref<80x256xf32, #tpu.memory_space<vmem>>, vector<16xf32>,
      tpu.vector_store %arg14[%swap3A_171, %swap3A_172], %mul3A_170 {strides = array<i32>} : memref<80x256xf32, #tpu.memory_space<vmem>>, vector<16xf32>,
      %get3A_174 = arith.index_cast %add3A_91 : i32 to index
      %get3A_175 = arith.constant 192 : index
      %get3A_176 = tpu.vector_load %arg14[%get3A_174, %get3A_175] {strides = array<i32>} : memref<80x256xf32, #tpu.memory_space<vmem>>, vector<16xf32>,
      %mul3A_177 = arith.mulf %get3A_176, %gather3A : vector<16xf32>
      %swap3A_178 = arith.index_cast %add3A_91 : i32 to index
      %swap3A_179 = arith.constant 192 : index
      %swap3A_180 = tpu.vector_load %arg14[%swap3A_178, %swap3A_179] {strides = array<i32>} : memref<80x256xf32, #tpu.memory_space<vmem>>, vector<16xf32>,
      tpu.vector_store %arg14[%swap3A_178, %swap3A_179], %mul3A_177 {strides = array<i32>} : memref<80x256xf32, #tpu.memory_space<vmem>>, vector<16xf32>,
      %get3A_181 = arith.index_cast %add3A_91 : i32 to index
      %get3A_182 = arith.constant 208 : index
      %get3A_183 = tpu.vector_load %arg14[%get3A_181, %get3A_182] {strides = array<i32>} : memref<80x256xf32, #tpu.memory_space<vmem>>, vector<16xf32>,
      %mul3A_184 = arith.mulf %get3A_183, %gather3A : vector<16xf32>
      %swap3A_185 = arith.index_cast %add3A_91 : i32 to index
      %swap3A_186 = arith.constant 208 : index
      %swap3A_187 = tpu.vector_load %arg14[%swap3A_185, %swap3A_186] {strides = array<i32>} : memref<80x256xf32, #tpu.memory_space<vmem>>, vector<16xf32>,
      tpu.vector_store %arg14[%swap3A_185, %swap3A_186], %mul3A_184 {strides = array<i32>} : memref<80x256xf32, #tpu.memory_space<vmem>>, vector<16xf32>,
      %get3A_188 = arith.index_cast %add3A_91 : i32 to index
      %get3A_189 = arith.constant 224 : index
      %get3A_190 = tpu.vector_load %arg14[%get3A_188, %get3A_189] {strides = array<i32>} : memref<80x256xf32, #tpu.memory_space<vmem>>, vector<16xf32>,
      %mul3A_191 = arith.mulf %get3A_190, %gather3A : vector<16xf32>
      %swap3A_192 = arith.index_cast %add3A_91 : i32 to index
      %swap3A_193 = arith.constant 224 : index
      %swap3A_194 = tpu.vector_load %arg14[%swap3A_192, %swap3A_193] {strides = array<i32>} : memref<80x256xf32, #tpu.memory_space<vmem>>, vector<16xf32>,
      tpu.vector_store %arg14[%swap3A_192, %swap3A_193], %mul3A_191 {strides = array<i32>} : memref<80x256xf32, #tpu.memory_space<vmem>>, vector<16xf32>,
      %get3A_195 = arith.index_cast %add3A_91 : i32 to index
      %get3A_196 = arith.constant 240 : index
      %get3A_197 = tpu.vector_load %arg14[%get3A_195, %get3A_196] {strides = array<i32>} : memref<80x256xf32, #tpu.memory_space<vmem>>, vector<16xf32>,
      %mul3A_198 = arith.mulf %get3A_197, %gather3A : vector<16xf32>
      %swap3A_199 = arith.index_cast %add3A_91 : i32 to index
      %swap3A_200 = arith.constant 240 : index
      %swap3A_201 = tpu.vector_load %arg14[%swap3A_199, %swap3A_200] {strides = array<i32>} : memref<80x256xf32, #tpu.memory_space<vmem>>, vector<16xf32>,
      tpu.vector_store %arg14[%swap3A_199, %swap3A_200], %mul3A_198 {strides = array<i32>} : memref<80x256xf32, #tpu.memory_space<vmem>>, vector<16xf32>,
    }
    %scan3A_80 = arith.constant 80 : i32
    "tpu.region"() ({
      %run_scoped3A = tpu.sem_alloc : memref<!tpu.dma_semaphore, #tpu.memory_space<semaphore_mem>>
      %dma_start3A_87 = arith.constant 0 : i32
      %dma_start3A_88 = arith.constant 0 : i32
      %dma_start3A_89 = tpu.memref_slice %arg16[%dma_start3A_87, %dma_start3A_88] : memref<5000x256xf32, #tpu.memory_space<vmem_shared>> -> memref<5000x256xf32, #tpu.memory_space<vmem_shared>>
      tpu.enqueue_indirect_dma source(%arg14 : memref<80x256xf32, #tpu.memory_space<vmem>>) target(%dma_start3A_89 : memref<5000x256xf32, #tpu.memory_space<vmem_shared>>) offsets(%arg10 : memref<80xi32, #tpu.memory_space<vmem>>) semaphore(%run_scoped3A : memref<!tpu.dma_semaphore, #tpu.memory_space<semaphore_mem>>) {add = true}
      %dma_wait3A_90 = arith.constant 0 : i32
      %dma_wait3A_91 = arith.constant 0 : i32
      %dma_wait3A_92 = tpu.memref_slice %arg16[%dma_wait3A_90, %dma_wait3A_91] : memref<5000x256xf32, #tpu.memory_space<vmem_shared>> -> memref<5000x256xf32, #tpu.memory_space<vmem_shared>>
      tpu.wait_indirect_dma semaphore(%run_scoped3A : memref<!tpu.dma_semaphore, #tpu.memory_space<semaphore_mem>>) src(%arg14 : memref<80x256xf32, #tpu.memory_space<vmem>>) dst(%dma_wait3A_92 : memref<5000x256xf32, #tpu.memory_space<vmem_shared>>)
      tpu.yield
    }) : () -> ()
    %barrier3A_81 = arith.constant 0 : index
    tpu.barrier barrier_id(%barrier3A_81)
    "tpu.region"() ({
      %run_scoped3A = tpu.sem_alloc : memref<!tpu.dma_semaphore, #tpu.memory_space<semaphore_mem>>
      %dma_start3A_87 = arith.constant 0 : i32
      %dma_start3A_88 = tpu.memref_slice %arg7[%arg0, %mul3A_0, %dma_start3A_87] : memref<2x5000x256xf32, #tpu.memory_space<hbm>> -> memref<1x312x256xf32, #tpu.memory_space<hbm>>
      %dma_start3A_89 = tpu.memref_squeeze %dma_start3A_88 : memref<1x312x256xf32, #tpu.memory_space<hbm>> -> memref<312x256xf32, #tpu.memory_space<hbm>>
      %dma_start3A_90 = arith.constant 0 : i32
      %dma_start3A_91 = tpu.memref_slice %arg16[%mul3A_0, %dma_start3A_90] : memref<5000x256xf32, #tpu.memory_space<vmem_shared>> -> memref<312x256xf32, #tpu.memory_space<vmem_shared>>
      tpu.enqueue_dma source(%dma_start3A_91 : memref<312x256xf32, #tpu.memory_space<vmem_shared>>) target(%dma_start3A_89 : memref<312x256xf32, #tpu.memory_space<hbm>>) target_semaphore(%run_scoped3A : memref<!tpu.dma_semaphore, #tpu.memory_space<semaphore_mem>>)
      %dma_wait3A_92 = arith.constant 0 : i32
      %dma_wait3A_93 = tpu.memref_slice %arg7[%arg0, %mul3A_0, %dma_wait3A_92] : memref<2x5000x256xf32, #tpu.memory_space<hbm>> -> memref<1x312x256xf32, #tpu.memory_space<hbm>>
      %dma_wait3A_94 = tpu.memref_squeeze %dma_wait3A_93 : memref<1x312x256xf32, #tpu.memory_space<hbm>> -> memref<312x256xf32, #tpu.memory_space<hbm>>
      %dma_wait3A_95 = arith.constant 0 : i32
      %dma_wait3A_96 = tpu.memref_slice %arg16[%mul3A_0, %dma_wait3A_95] : memref<5000x256xf32, #tpu.memory_space<vmem_shared>> -> memref<312x256xf32, #tpu.memory_space<vmem_shared>>
      tpu.wait_dma2 semaphore(%run_scoped3A : memref<!tpu.dma_semaphore, #tpu.memory_space<semaphore_mem>>) src(%dma_wait3A_96 : memref<312x256xf32, #tpu.memory_space<vmem_shared>>) dst(%dma_wait3A_94 : memref<312x256xf32, #tpu.memory_space<hbm>>)
      tpu.yield
    }) : () -> ()
    %eq3A_82 = arith.constant 0 : i32
    %eq3A_83 = arith.cmpi eq, %arg1, %eq3A_82 : i32
    %convert_element_type3A_84 = arith.extui %eq3A_83 : i1 to i32
    %cond3A_85 = arith.constant 0 : i32
    %cond3A_86 = arith.cmpi ne, %convert_element_type3A_84, %cond3A_85 : i32
    scf.if %cond3A_86 {
      "tpu.region"() ({
        %run_scoped3A = tpu.sem_alloc : memref<!tpu.dma_semaphore, #tpu.memory_space<semaphore_mem>>
        %dma_start3A_87 = arith.constant 4992 : i32
        %dma_start3A_88 = arith.constant 0 : i32
        %dma_start3A_89 = tpu.memref_slice %arg7[%arg0, %dma_start3A_87, %dma_start3A_88] : memref<2x5000x256xf32, #tpu.memory_space<hbm>> -> memref<1x8x256xf32, #tpu.memory_space<hbm>>
        %dma_start3A_90 = tpu.memref_squeeze %dma_start3A_89 : memref<1x8x256xf32, #tpu.memory_space<hbm>> -> memref<8x256xf32, #tpu.memory_space<hbm>>
        %dma_start3A_91 = arith.constant 4992 : i32
        %dma_start3A_92 = arith.constant 0 : i32
        %dma_start3A_93 = tpu.memref_slice %arg16[%dma_start3A_91, %dma_start3A_92] : memref<5000x256xf32, #tpu.memory_space<vmem_shared>> -> memref<8x256xf32, #tpu.memory_space<vmem_shared>>
        tpu.enqueue_dma source(%dma_start3A_93 : memref<8x256xf32, #tpu.memory_space<vmem_shared>>) target(%dma_start3A_90 : memref<8x256xf32, #tpu.memory_space<hbm>>) target_semaphore(%run_scoped3A : memref<!tpu.dma_semaphore, #tpu.memory_space<semaphore_mem>>)
        %dma_wait3A_94 = arith.constant 4992 : i32
        %dma_wait3A_95 = arith.constant 0 : i32
        %dma_wait3A_96 = tpu.memref_slice %arg7[%arg0, %dma_wait3A_94, %dma_wait3A_95] : memref<2x5000x256xf32, #tpu.memory_space<hbm>> -> memref<1x8x256xf32, #tpu.memory_space<hbm>>
        %dma_wait3A_97 = tpu.memref_squeeze %dma_wait3A_96 : memref<1x8x256xf32, #tpu.memory_space<hbm>> -> memref<8x256xf32, #tpu.memory_space<hbm>>
        %dma_wait3A_98 = arith.constant 4992 : i32
        %dma_wait3A_99 = arith.constant 0 : i32
        %dma_wait3A_100 = tpu.memref_slice %arg16[%dma_wait3A_98, %dma_wait3A_99] : memref<5000x256xf32, #tpu.memory_space<vmem_shared>> -> memref<8x256xf32, #tpu.memory_space<vmem_shared>>
        tpu.wait_dma2 semaphore(%run_scoped3A : memref<!tpu.dma_semaphore, #tpu.memory_space<semaphore_mem>>) src(%dma_wait3A_100 : memref<8x256xf32, #tpu.memory_space<vmem_shared>>) dst(%dma_wait3A_97 : memref<8x256xf32, #tpu.memory_space<hbm>>)
        tpu.yield
      }) : () -> ()
    } else {
    }
    return
  }
}

module attributes {stable_mosaic.version = 14 : i64} {
  func.func @body(%arg0: i32, %arg1: memref<1x1000x256xf32, #tpu.memory_space<vmem>>, %arg2: memref<1x1000x256xf32, #tpu.memory_space<vmem>>, %arg3: memref<256x256xf32, #tpu.memory_space<vmem>>, %arg4: memref<256x256xf32, #tpu.memory_space<vmem>>, %arg5: memref<1000x256xf32, #tpu.memory_space<vmem>>, %arg6: memref<1000x256xf32, #tpu.memory_space<vmem>>) attributes {dimension_semantics = [#tpu.dimension_semantics<arbitrary>], iteration_bounds = array<i64: 5>, scalar_prefetch = 0 : i64, scratch_operands = 0 : i64, tpu.core_type = #tpu.core_type<tc>, window_params = [{transform_indices = @transform_0, window_bounds = array<i64: 1, 1000, 256>}, {transform_indices = @transform_1, window_bounds = array<i64: 1, 1000, 256>}, {pipeline_mode = #tpu.pipeline_mode<synchronous>, transform_indices = @transform_2, window_bounds = array<i64: 256, 256>}, {pipeline_mode = #tpu.pipeline_mode<synchronous>, transform_indices = @transform_3, window_bounds = array<i64: 256, 256>}, {transform_indices = @transform_4, window_bounds = array<i64: 1000, 256>}, {transform_indices = @transform_5, window_bounds = array<i64: 1000, 256>}]} {
    %get3A = arith.constant 0 : index
    %get3A_0 = arith.constant 0 : index
    %get3A_1 = arith.constant 0 : index
    %get3A_2 = vector.load %arg1[%get3A, %get3A_0, %get3A_1] : memref<1x1000x256xf32, #tpu.memory_space<vmem>>, vector<1x1000x256xf32>
    %get3A_3 = vector.shape_cast %get3A_2 : vector<1x1000x256xf32> to vector<1000x256xf32>
    %get3A_4 = arith.constant 0 : index
    %get3A_5 = arith.constant 0 : index
    %get3A_6 = vector.load %arg3[%get3A_4, %get3A_5] : memref<256x256xf32, #tpu.memory_space<vmem>>, vector<256x256xf32>
    %dot_general3A = arith.constant dense<0.000000e+00> : vector<1000x256xf32>
    %dot_general3A_7 = tpu.matmul %get3A_3, %get3A_6, %dot_general3A {dimension_numbers = #tpu.dot_dimension_numbers<[1], [0], [0], [1], [0, 0, 1, 1], [], []>, transpose_lhs_hint = false} : vector<1000x256xf32>, vector<256x256xf32>, vector<1000x256xf32> -> vector<1000x256xf32>
    %logistic3A = arith.negf %dot_general3A_7 : vector<1000x256xf32>
    %logistic3A_8 = math.exp %logistic3A : vector<1000x256xf32>
    %logistic3A_9 = arith.constant 1.000000e+00 : f32
    %logistic3A_10 = vector.broadcast %logistic3A_9 : f32 to vector<1000x256xf32>
    %logistic3A_11 = arith.addf %logistic3A_10, %logistic3A_8 : vector<1000x256xf32>
    %logistic3A_12 = arith.divf %logistic3A_10, %logistic3A_11 : vector<1000x256xf32>
    %swap3A = arith.constant 0 : index
    %swap3A_13 = arith.constant 0 : index
    %swap3A_14 = vector.load %arg5[%swap3A, %swap3A_13] : memref<1000x256xf32, #tpu.memory_space<vmem>>, vector<1000x256xf32>
    tpu.vector_store %arg5[%swap3A, %swap3A_13], %logistic3A_12 {strides = array<i32>} : memref<1000x256xf32, #tpu.memory_space<vmem>>, vector<1000x256xf32>,
    %get3A_15 = arith.constant 0 : index
    %get3A_16 = arith.constant 0 : index
    %get3A_17 = arith.constant 0 : index
    %get3A_18 = vector.load %arg2[%get3A_15, %get3A_16, %get3A_17] : memref<1x1000x256xf32, #tpu.memory_space<vmem>>, vector<1x1000x256xf32>
    %get3A_19 = vector.shape_cast %get3A_18 : vector<1x1000x256xf32> to vector<1000x256xf32>
    %get3A_20 = arith.constant 0 : index
    %get3A_21 = arith.constant 0 : index
    %get3A_22 = vector.load %arg4[%get3A_20, %get3A_21] : memref<256x256xf32, #tpu.memory_space<vmem>>, vector<256x256xf32>
    %dot_general3A_23 = arith.constant dense<0.000000e+00> : vector<1000x256xf32>
    %dot_general3A_24 = tpu.matmul %get3A_19, %get3A_22, %dot_general3A_23 {dimension_numbers = #tpu.dot_dimension_numbers<[1], [0], [0], [1], [0, 0, 1, 1], [], []>, transpose_lhs_hint = false} : vector<1000x256xf32>, vector<256x256xf32>, vector<1000x256xf32> -> vector<1000x256xf32>
    %logistic3A_25 = arith.negf %dot_general3A_24 : vector<1000x256xf32>
    %logistic3A_26 = math.exp %logistic3A_25 : vector<1000x256xf32>
    %logistic3A_27 = arith.constant 1.000000e+00 : f32
    %logistic3A_28 = vector.broadcast %logistic3A_27 : f32 to vector<1000x256xf32>
    %logistic3A_29 = arith.addf %logistic3A_28, %logistic3A_26 : vector<1000x256xf32>
    %logistic3A_30 = arith.divf %logistic3A_28, %logistic3A_29 : vector<1000x256xf32>
    %swap3A_31 = arith.constant 0 : index
    %swap3A_32 = arith.constant 0 : index
    %swap3A_33 = vector.load %arg6[%swap3A_31, %swap3A_32] : memref<1000x256xf32, #tpu.memory_space<vmem>>, vector<1000x256xf32>
    tpu.vector_store %arg6[%swap3A_31, %swap3A_32], %logistic3A_30 {strides = array<i32>} : memref<1000x256xf32, #tpu.memory_space<vmem>>, vector<1000x256xf32>,
    return
  }
  func.func @transform_0(%arg0: i32) -> (i32, i32, i32) {
    %c0_i32 = arith.constant 0 : i32
    %c0_i32_0 = arith.constant 0 : i32
    %c0_i32_1 = arith.constant 0 : i32
    return %c0_i32, %arg0, %c0_i32_0 : i32, i32, i32
  }
  func.func @transform_1(%arg0: i32) -> (i32, i32, i32) {
    %c1_i32 = arith.constant 1 : i32
    %c0_i32 = arith.constant 0 : i32
    %c0_i32_0 = arith.constant 0 : i32
    return %c1_i32, %arg0, %c0_i32 : i32, i32, i32
  }
  func.func @transform_2(%arg0: i32) -> (i32, i32) {
    %c0_i32 = arith.constant 0 : i32
    %c0_i32_0 = arith.constant 0 : i32
    %c0_i32_1 = arith.constant 0 : i32
    return %c0_i32, %c0_i32_0 : i32, i32
  }
  func.func @transform_3(%arg0: i32) -> (i32, i32) {
    %c0_i32 = arith.constant 0 : i32
    %c0_i32_0 = arith.constant 0 : i32
    %c0_i32_1 = arith.constant 0 : i32
    return %c0_i32, %c0_i32_0 : i32, i32
  }
  func.func @transform_4(%arg0: i32) -> (i32, i32) {
    %c0_i32 = arith.constant 0 : i32
    %c0_i32_0 = arith.constant 0 : i32
    return %arg0, %c0_i32 : i32, i32
  }
  func.func @transform_5(%arg0: i32) -> (i32, i32) {
    %c0_i32 = arith.constant 0 : i32
    %c0_i32_0 = arith.constant 0 : i32
    return %arg0, %c0_i32 : i32, i32
  }
}

</mosaic_0001>

<sc_bundles>
// kernel: kernel.4.cloned.1.call-start
scs
__scs_entry_jumppad:
0x0: {  	(pc) =	sbr.rel $0x88, $3  }
0x1: {  	(tag) =	ssettag $0x0;
	lr =	simm.s32 $0x1  }
0x2: {  	[smem:$0x3F9A] =	sst lr;
	_ =	strace $0xD0000000  }
0x3: {  	_ = 	snop  }
0x4: {  	_ = 	snop  }
0x5: {  	_ = 	snop  }
0x6: {  	_ = 	snop  }
0x7: {  	_ = 	snop  }
__scs_overlays_trampoline_lowered:
0x8: {  	[smem:$0x3FA9] =	sst s0  }
0x9: {  	[smem:$0x3FAA] =	sst s1  }
0xa: {  	[smem:$0x3FAB] =	sst s2  }
0xb: {  	[smem:$0x3FAC] =	sst s3  }
0xc: {  	[smem:$0x3FAD] =	sst s4  }
0xd: {  	[smem:$0x3FAE] =	sst s5  }
0xe: {  	[smem:$0x3FAF] =	sst s6  }
0xf: {  	[smem:$0x3FB0] =	sst s7  }
0x10: {  	[smem:$0x3FB1] =	sst s8  }
0x11: {  	[smem:$0x3FB2] =	sst s9;
	s0 =	simm.s32 @!p0 $0x0  }
0x12: {  	s1 =	sld [smem:$0x3F98];
	s0 =	simm.s32 @p0 $0x1  }
0x13: {  	[smem:$0x3FB3] =	sst s0;
	s0 =	simm.s32 @!p1 $0x0  }
0x14: {  	s2 =	sld [smem:$0x3F97];
	s0 =	simm.s32 @p1 $0x1  }
0x15: {  	[smem:$0x3FB4] =	sst s0;
	s0 =	simm.s32 @!p2 $0x0  }
0x16: {  	s3 =	sld [smem:$0x3FDB];
	s0 =	simm.s32 @p2 $0x1  }
0x17: {  	s4 =	simm.s32 $0x1BF5;
	[smem:$0x3FB6] =	sst s0  }
0x18: {  	s0 =	sld [smem:$0x3F99];
	_ =	swait.ge [sflag:s4], $0x0  }
0x19: {  	s7 =	sld [smem:$0x3F9A]  }
0x1a: {  	s8 =	sadd.s32 $0xFFFFE003, lr  }
0x1b: {  	s9 =	sadd.s32 $0xFFFFFEF7, lr;
	s5 =	simm.s32 $0xFFFFFFFF;
	p2 =	slt.u32 s8, $0xFFFFF086  }
0x1c: {  	p1 =	slt.u32 s9, $0xF7A;
	s5 =	simm.s32 @!p2 $0x0  }
0x1d: {  	s5 =	simm.s32 @p1 $0x1;
	p0 =	seq.s32 s7, s2  }
0x1e: {  	s7 =	smul.u32 @!p0 $0xF7A, s2;
	p2 =	seq.s32 @!p0 s5, $0x0  }
0x1f: {  	s9 =	smul.u32 $0xF7A, s1;
	s8 =	simm.s32 @!p0 $0x1BF5;
	p2 =	por !p2, p0  }
0x20: {  	[sflag:s8] =	ssyncset.s32 @!p0 $0xFFFFF086;
	s6 =	sadd.s32 @!p0 s3, s7;
	s7 =	simm.s32 @!p0 $0x108  }
0x21: {  	s3 =	sadd.s32 s3, s9;
	s6 =	sadd.s32 @!p0 $0x88, s6;
	s7 =	simm.s32 @p2 $0x1082  }
0x22: {  	[simem:s7], [sflag:s8] =	dma.local @!p0 [hbm:s6], $0xF7A  }
0x23: {  	s9 =	sor.u32 $0xD0000000, s2;
	s6 =	simm.s32 $0x108;
	_ =	swait.ge @!p0 [sflag:s8], $0x0  }
0x24: {  	s3 =	sadd.s32 $0x88, s3;
	s6 =	simm.s32 @!p1 $0x1082;
	[sflag:s4] =	ssyncset.s32 $0xFFFFF086  }
0x25: {  	[simem:s6], [sflag:s4] =	dma.local [hbm:s3], $0xF7A  }
0x26: {  	[smem:$0x3F9A] =	sst s1;
	(tag) =	ssettag s2;
	_ =	strace s9  }
0x27: {  	s1 =	sld [smem:$0x3FAA]  }
0x28: {  	s2 =	sld [smem:$0x3FAB]  }
0x29: {  	s4 =	sld [smem:$0x3FAD]  }
0x2a: {  	p0 =	seq.s32 s5, $0x0;
	s5 =	sld [smem:$0x3FAE]  }
0x2b: {  	s6 =	sld [smem:$0x3FAF]  }
0x2c: {  	s7 =	sld [smem:$0x3FB0]  }
0x2d: {  	s3 =	simm.s32 $0x108;
	s8 =	sld [smem:$0x3FB1]  }
0x2e: {  	s3 =	simm.s32 @!p0 $0x1082;
	s9 =	sld [smem:$0x3FB2]  }
0x2f: {  	lr =	sadd.s32 s0, s3;
	s0 =	sld [smem:$0x3FA9]  }
0x30: {  	s3 =	sld [smem:$0x3FAC]  }
0x31: {  	[smem:$0x3FB5] =	sst s10  }
0x32: {  	s10 =	sld [smem:$0x3FB3];
	_ =	sdelay $0x3  }
0x33: {  	p0 =	seq.s32 s10, $0x1;
	s10 =	sld [smem:$0x3FB5];
	_ =	sdelay $0x3  }
0x34: {  	[smem:$0x3FB5] =	sst s10  }
0x35: {  	s10 =	sld [smem:$0x3FB4];
	_ =	sdelay $0x3  }
0x36: {  	p1 =	seq.s32 s10, $0x1;
	s10 =	sld [smem:$0x3FB5];
	_ =	sdelay $0x3  }
0x37: {  	[smem:$0x3FB5] =	sst s10  }
0x38: {  	s10 =	sld [smem:$0x3FB6]  }
0x39: {  	_ = 	snop;
	(pc) =	sbr.ind lr, $3  }
0x3a: {  	_ = 	snop  }
0x3b: {  	_ = 	snop  }
0x3c: {  	p2 =	seq.s32 s10, $0x1;
	s10 =	sld [smem:$0x3FB5]  }
0x3d: {  	_ =	shalt  }
0x3e: {  	_ =	shalt  }
0x3f: {  	_ =	shalt  }
0x40: {  	_ =	shalt  }
0x41: {  	_ =	shalt  }
0x42: {  	_ =	shalt  }
0x43: {  	_ =	shalt  }
0x44: {  	_ =	shalt  }
0x45: {  	_ =	shalt  }
0x46: {  	_ =	shalt  }
0x47: {  	_ =	shalt  }
0x48: {  	_ =	shalt  }
0x49: {  	_ =	shalt  }
0x4a: {  	_ =	shalt  }
0x4b: {  	_ =	shalt  }
0x4c: {  	_ =	shalt  }
0x4d: {  	_ =	shalt  }
0x4e: {  	_ =	shalt  }
0x4f: {  	_ =	shalt  }
0x50: {  	_ =	shalt  }
0x51: {  	_ =	shalt  }
0x52: {  	_ =	shalt  }
0x53: {  	_ =	shalt  }
0x54: {  	_ =	shalt  }
0x55: {  	_ =	shalt  }
0x56: {  	_ =	shalt  }
0x57: {  	_ =	shalt  }
0x58: {  	_ =	shalt  }
0x59: {  	_ =	shalt  }
0x5a: {  	_ =	shalt  }
0x5b: {  	_ =	shalt  }
0x5c: {  	_ =	shalt  }
0x5d: {  	_ =	shalt  }
0x5e: {  	_ =	shalt  }
0x5f: {  	_ =	shalt  }
0x60: {  	_ =	shalt  }
0x61: {  	_ =	shalt  }
0x62: {  	_ =	shalt  }
0x63: {  	_ =	shalt  }
0x64: {  	_ =	shalt  }
0x65: {  	_ =	shalt  }
0x66: {  	_ =	shalt  }
0x67: {  	_ =	shalt  }
0x68: {  	_ =	shalt  }
0x69: {  	_ =	shalt  }
0x6a: {  	_ =	shalt  }
0x6b: {  	_ =	shalt  }
0x6c: {  	_ =	shalt  }
0x6d: {  	_ =	shalt  }
0x6e: {  	_ =	shalt  }
0x6f: {  	_ =	shalt  }
0x70: {  	_ =	shalt  }
0x71: {  	_ =	shalt  }
0x72: {  	_ =	shalt  }
0x73: {  	_ =	shalt  }
0x74: {  	_ =	shalt  }
0x75: {  	_ =	shalt  }
0x76: {  	_ =	shalt  }
0x77: {  	_ =	shalt  }
0x78: {  	_ =	shalt  }
0x79: {  	_ =	shalt  }
0x7a: {  	_ =	shalt  }
0x7b: {  	_ =	shalt  }
0x7c: {  	_ =	shalt  }
0x7d: {  	_ =	shalt  }
0x7e: {  	_ =	shalt  }
0x7f: {  	_ =	shalt  }
0x80: {  	_ =	shalt  }
0x81: {  	_ =	shalt  }
0x82: {  	_ =	shalt  }
0x83: {  	_ =	shalt  }
0x84: {  	_ =	shalt  }
0x85: {  	_ =	shalt  }
0x86: {  	_ =	shalt  }
0x87: {  	_ =	shalt  }
.Lfunc_end0:
.L_simem_size_0:
called_computation_lowered:
.L_overlay_start_0:
0x88: {  	s2 =	sld [smem:$0x3FD9]  }
0x89: {  	s3 =	sld [smem:$0x3FFE];
	_ =	sdelay $0x1  }
0x8a: {  	s1 =	srdreg.scid  }
0x8b: {  	s0 =	sand.u32 $0x1, s1  }
0x8c: {  	s14 =	sshll.u32 s0, $0xA;
	s2 =	sadd.s32 s3, s2  }
0x8d: {  	s2 =	sadd.s32 s2, s14  }
0x8e: {  	[smem:$0x3FC1] =	sst s2  }
0x8f: {  	_ = 	snop  }
0x90: {  	s2 =	sld [smem:$0x3FD0]  }
0x91: {  	s15 =	sld [smem:$0x3FC7]  }
0x92: {  	s4 =	sld [smem:$0x3FC6]  }
0x93: {  	s6 =	simm.s32 $0xA;
	s7 =	simm.s32 $0x10;
	s5 =	sld [smem:$0x3FC5]  }
0x94: {  	[smem:s7], [sflag:s6] =	dma.local [hbm:s2], $0x1  }
0x95: {  	_ =	swait.eq [sflag:s6], $0x1  }
0x96: {  	[sflag:s6] =	ssyncset.done $0x0  }
0x97: {  	s16 =	sld [smem:$0x10];
	[sflag:s6] =	ssyncadd.s32 $0xFFFFFFFF  }
0x98: {  	s17 =	sld [smem:$0x11];
	(tm) =	ssettm $0x1  }
0x99: {  	s18 =	sld [smem:$0x3FFB];
	_ =	sdelay $0x3  }
0x9a: {  	_ =	strace s18  }
0x9b: {  	s7 =	sld [smem:$0x3FFC];
	_ =	sdelay $0x3  }
0x9c: {  	_ =	strace s7  }
0x9d: {  	s7 =	sld [smem:$0x3FFD];
	_ =	sdelay $0x3  }
0x9e: {  	_ =	strace s7  }
0x9f: {  	_ =	strace $0x8FFFFFFF  }
0xa0: {  	s19 =	sld [smem:$0x3FDB];
	_ =	sdelay $0x1  }
0xa1: {  	s8 =	simm.s32 $_scs_section_size  }
0xa2: {  	s9 =	simm.s32 $_size__tile_overlayer_lowered;
	s10 =	simm.s32 $_tile_overlayer_lowered  }
0xa3: {  	s22 =	simm.s32 $0x1BFF;
	s21 =	sshll.u32 s10, $0x1;
	s7 =	sadd.s32 s8, s19  }
0xa4: {  	s11 =	simm.s32 $0x0;
	s20 =	sshll.u32 s9, $0x1;
	s9 =	sadd.s32 s21, s7  }
0xa5: {  	[timem:s11], [sflag:s22] =	dma.local [hbm:s9], s20  }
0xa6: {  	_ =	swait.ge [sflag:s22], s20  }
0xa7: {  	s8 =	ssub.s32 $0x0, s20;
	[sflag:s22] =	ssyncset.done $0x0  }
0xa8: {  	[sflag:s22] =	ssyncadd.s32 s8;
	_ =	sdelay $0x1  }
0xa9: {  	s23 =	simm.s32 $0x1B8B  }
0xaa: {  	_ =	swait.ge [sflag:s23], $0x1  }
0xab: {  	[sflag:s23] =	ssyncset.done $0x0  }
0xac: {  	s25 =	simm.s32 $0x1B8E;
	s24 =	sld [smem:$0x3FFE];
	[sflag:s23] =	ssyncadd.s32 $0xFFFFFFFF  }
0xad: {  	s26 =	simm.s32 $execute0_lowered;
	[smem:$0x3FD2] =	sst s25  }
0xae: {  	s9 =	sshll.u32 s26, $0x1;
	_ =	strace $0x80000046;
	[dreg:$0x1] =	wrdreg $0xFFFFFFFF  }
0xaf: {  	s28 =	simm.s32 $_size_execute0_lowered;
	s7 =	sadd.s32 s7, s9;
	[dreg:$0x0] =	wrdreg $0x0  }
0xb0: {  	s9 =	sshll.u32 s28, $0x1;
	[dreg:$0x2] =	wrdreg s7  }
0xb1: {  	[dreg:$0x3] =	wrdreg s9  }
0xb2: {  	[dreg:$0x4] =	wrdreg $0xC0  }
0xb3: {  	_ =	task [dreg:s11], $0x5FFFF  }
0xb4: {  	[dreg:$0x1] =	wrdreg $0xFFFFFFFF  }
0xb5: {  	[dreg:$0x0] =	wrdreg $0x60  }
0xb6: {  	[dreg:$0x2] =	wrdreg s17  }
0xb7: {  	[dreg:$0x3] =	wrdreg s16  }
0xb8: {  	[dreg:$0x4] =	wrdreg s15  }
0xb9: {  	[dreg:$0x5] =	wrdreg s4  }
0xba: {  	[dreg:$0x6] =	wrdreg s5  }
0xbb: {  	[dreg:$0x7] =	wrdreg s24  }
0xbc: {  	[dreg:$0x8] =	wrdreg $0xA1E00  }
0xbd: {  	[dreg:$0x9] =	wrdreg $0x9  }
0xbe: {  	_ =	task.clear_ibuf [dreg:s11], $0xAFFFF;
	_ =	strace $0x90000046  }
0xbf: {  	s29 =	simm.s32 $0x9;
	_ =	strace $0x80000048  }
0xc0: {  	_ =	swait.ge [sflag:s29], $0x1  }
0xc1: {  	[sflag:s29] =	ssyncadd.s32 $0xFFFFFFFF  }
0xc2: {  	_ =	strace $0x90000048  }
0xc3: {  	_ =	sfence  }
0xc4: {  	s30 =	sld [smem:$0x0];
	_ =	sdelay $0x2  }
0xc5: {  	s31 =	sshll.u32 s1, $0xD;
	s1 =	sshrl.u32 s1, $0x2  }
0xc6: {  	s3 =	sand.u32 $0x4000, s31;
	s1 =	sadd.s32 s1, s30  }
0xc7: {  	s0 =	sor.u32 s3, s0;
	s1 =	sshll.u32 s1, $0x11  }
0xc8: {  	s0 =	sor.u32 s1, s0  }
0xc9: {  	s0 =	sadd.s32 $0x8F2B, s0  }
0xca: {  	[sflag:s0] =	ssyncadd.remote.s32 $0x1  }
0xcb: {  	_ =	sfence.sel $0xFFFF  }
0xcc: {  	[dreg:$0x0] =	wrdreg $0xFFFFFFFF;
	(pc) =	sbr.abs _section_cstart, $3  }
0xcd: {  	[dreg:$0x1] =	wrdreg $0xFFFFFFFF  }
0xce: {  	_ =	task.clear_ibuf [dreg:s11], $0x2FFFF;
	_ =	strace $0x9FFFFFFF  }
0xcf: {  	(tm) =	ssettm $0x7FFFFFFF  }
tec
execute0_lowered:
.L_overlay_start_1:
0x0: {  	(tag) =	ssettag $0x1  }
0x1: {  	s24 =	rddreg [dreg:$0x0]  }
0x2: {  	s15 =	rddreg [dreg:$0x1]  }
0x3: {  	s0 =	rddreg [dreg:$0x2]  }
0x4: {  	s3 =	rddreg [dreg:$0x3]  }
0x5: {  	s4 =	rddreg [dreg:$0x4]  }
0x6: {  	s1 =	rddreg [dreg:$0x5]  }
0x7: {  	s5 =	rddreg [dreg:$0x6];
	s2 =	srdreg.scid  }
0x8: {  	s6 =	simm.s32 $0x0;
	s18 =	stileid.u32;
	s28 =	simm.s32 $0x140  }
0x9: {  	s29 =	simm.s32 $0x50;
	s30 =	simm.s32 $0xF0;
	s31 =	simm.s32 $0x190  }
0xa: {  	s2 =	sand.u32 $0x1, s2;
	[smem:$0x7FF] =	sst s6;
	s8 =	smul.u32 $0x13800, s18  }
0xb: {  	s1 =	sadd.s32 $0xA00, s1;
	s11 =	smul.u32 $0x2710, s18;
	s20 =	smov.u32 s0  }
0xc: {  	p2 =	seq.s32 s18, $0x0;
	s7 =	ssub.s32 $0x2, s2;
	_ =	strace $0x80000047  }
0xd: {  	p0 =	seq.s32 s2, $0x0;
	s13 =	smul.u32 $0x138800, s2;
	p1 =	sne.s32 s2, $0x0  }
0xe: {  	s2 =	simm.s32 $0x2;
	s9 =	sshrl.u32 s7, $0x1;
	s26 =	sshrl.u32 s8, $0x3  }
0xf: {  	s10 =	sadd.s32 s8, s5;
	s12 =	sshrl.u32 s11, $0x3;
	s21 =	sadd.s32 $0xA0, s11  }
0x10: {  	s20 =	smov.u32 @p0 s3;
	s7 =	ssub.s32 s7, s9;
	[dreg:$0x8] =	wrdreg s10  }
0x11: {  	s14 =	sadd.s32 s15, s26;
	s10 =	sadd.s32 $0x138000, s5;
	s16 =	sadd.s32 s3, s12  }
0x12: {  	s9 =	sadd.s32 s24, s26;
	s8 =	sadd.s32 s8, s13;
	s17 =	sshrl.u32 s13, $0x3  }
0x13: {  	s19 =	sadd.s32 $0xA, s12;
	s25 =	sadd.s32 s4, s12;
	[dreg:$0x9] =	wrdreg s14  }
0x14: {  	s24 =	smov.u32 @p0 s15;
	s13 =	simm.s32 $0x0;
	[dreg:$0xb] =	wrdreg s16  }
0x15: {  	s14 =	sadd.s32 s0, s12;
	[dreg:$0xc] =	wrdreg s9;
	s8 =	sshrl.u32 s8, $0x3  }
0x16: {  	s9 =	sadd.s32 s1, s17;
	s16 =	sadd.s32 s3, s19;
	[dreg:$0x10] =	wrdreg s25  }
0x17: {  	s23 =	smax.u32 s7, $0x1;
	s26 =	sadd.s32 s4, s19;
	[dreg:$0xa] =	wrdreg s14  }
0x18: {  	s3 =	smov.u32 @p0 s0;
	s25 =	simm.s32 $0x3;
	[dreg:$0xf] =	wrdreg s23  }
0x19: {  	s14 =	sadd.s32 s0, s19;
	s1 =	sadd.s32 s1, s8;
	[dreg:$0x11] =	wrdreg s26  }
0x1a: {  	s22 =	sadd.s32 $0x27000, s9;
	s26 =	simm.s32 $0xA0;
	[dreg:$0xd] =	wrdreg s1  }
0x1b: {  	s0 =	simm.s32 $0x1E0;
	s9 =	simm.s32 $0x51E0;
	[dreg:$0xe] =	wrdreg s22  }
0x1c: {  	s17 =	smov.u32 s14;
	s22 =	sadd.s32 $0xF0, s11;
	s1 =	simm.s32 $0x1  }
0x1d: {  	s17 =	smov.u32 @p0 s16;
	s16 =	smov.u32 @p0 s14;
	p0 =	sne.s32 s18, $0x0  }
.LBB2_1:
.Ltmp0:
0x1e: {  	(pc) =	sbr.rel @p1 .LBB2_3-.Ltmp0, $4  }
0x1f: {  	_ = 	snop  }
0x20: {  	s7 =	stileid.u32  }
0x21: {  	s8 =	rddreg [dreg:$0x8];
	s7 =	sshll.u32 s7, $0x6  }
0x22: {  	s8 =	sshrl.u32 s8, $0x3;
	s11 =	sor.u32 $0x1C03, s7  }
0x23: {  	s11 =	sor.u32 $0x1C03, s7;
	s12 =	rddreg [dreg:$0xc]  }
0x24: {  	[spmem:s8], [sflag:s11] =	dma.local [hbm:s12], $0x2700  }
.Ltmp1:
0x25: {  	_ = 	snop;
	(pc) =	sbr.rel @!p2 .LBB2_5-.Ltmp1, $4  }
.Ltmp2:
0x26: {  	_ =	swait.ge [sflag:s25], $0x2700;
	(pc) =	sbr.rel @p2 .LBB2_4-.Ltmp2, $4  }
0x27: {  	[sflag:s25] =	ssyncset.done $0x0;
	s12 =	rddreg [dreg:$0xb]  }
0x28: {  	s14 =	rddreg [dreg:$0xa];
	[sflag:s25] =	ssyncadd.s32 $0xFFFFD900  }
0x29: {  	s15 =	rddreg [dreg:$0x0]  }
0x2a: {  	_ = 	snop  }
.LBB2_3:
0x2b: {  	s12 =	rddreg [dreg:$0x9]  }
0x2c: {  	[spmem:s8], [sflag:s11] =	dma.local [hbm:s12], $0x2700  }
.Ltmp3:
0x2d: {  	_ = 	snop;
	(pc) =	sbr.rel @p0 .LBB2_5-.Ltmp3, $4  }
0x2e: {  	_ =	swait.ge [sflag:s25], $0x2700  }
0x2f: {  	[sflag:s25] =	ssyncset.done $0x0;
	s12 =	rddreg [dreg:$0xa]  }
0x30: {  	s14 =	rddreg [dreg:$0xb];
	[sflag:s25] =	ssyncadd.s32 $0xFFFFD900  }
0x31: {  	s15 =	rddreg [dreg:$0x1]  }
.LBB2_4:
0x32: {  	s15 =	sadd.s32 $0x27000, s15;
	s18 =	sshrl.u32 s10, $0x3  }
0x33: {  	[spmem:s18], [sflag:s11] =	dma.local [hbm:s15], $0x100  }
0x34: {  	_ =	swait.ge [sflag:s25], $0x100  }
0x35: {  	[sflag:s25] =	ssyncset.done $0x0  }
0x36: {  	[sflag:s25] =	ssyncadd.s32 $0xFFFFFF00  }
.LBB2_5:
0x37: {  	[bflag:$0x0] =	sbarrier.arrive $0xFFFF;
	s11 =	simm.s32 $0x0  }
0x38: {  	[tilespmem:s11], [sflag:$0x2] =	stream.linear.gather [hbm4b:s12+s11], $0x50, $0x38;
	[tilespmem:$0x1DA60] =	vst v63  }
0x39: {  	_ = 	snop  }
0x3a: {  	[tilespmem:s26], [sflag:$0x2] =	stream.linear.gather [hbm4b:s14+s11], $0x50, $0x38;
	[tilespmem:$0x1DA60] =	vst v63  }
0x3b: {  	s19 =	rddreg [dreg:$0x10]  }
0x3c: {  	[tilespmem:s28], [sflag:$0x2] =	stream.linear.gather [hbm4b:s19+s11], $0x50, $0x38;
	[tilespmem:$0x1DA60] =	vst v63  }
0x3d: {  	_ = 	snop  }
0x3e: {  	[tilespmem:s29], [sflag:$0x2] =	stream.linear.gather [hbm4b:s17+s11], $0x50, $0x38;
	[tilespmem:$0x1DA60] =	vst v63  }
0x3f: {  	_ = 	snop  }
0x40: {  	[tilespmem:s30], [sflag:$0x2] =	stream.linear.gather [hbm4b:s16+s11], $0x50, $0x38;
	[tilespmem:$0x1DA60] =	vst v63  }
0x41: {  	s23 =	rddreg [dreg:$0x11]  }
0x42: {  	[tilespmem:s31], [sflag:$0x2] =	stream.linear.gather [hbm4b:s23+s11], $0x50, $0x38;
	[tilespmem:$0x1DA60] =	vst v63  }
0x43: {  	_ =	swait.ge [sflag:s2], $0x50  }
0x44: {  	[sflag:s2] =	ssyncset.done $0x0  }
0x45: {  	[sflag:s2] =	ssyncadd.s32 $0xFFFFFFB0  }
0x46: {  	_ =	swait.ge [sflag:s2], $0x50  }
0x47: {  	[sflag:s2] =	ssyncset.done $0x0  }
0x48: {  	[sflag:s2] =	ssyncadd.s32 $0xFFFFFFB0  }
0x49: {  	_ =	swait.ge [sflag:s2], $0x50  }
0x4a: {  	[sflag:s2] =	ssyncset.done $0x0  }
0x4b: {  	[sflag:s2] =	ssyncadd.s32 $0xFFFFFFB0  }
0x4c: {  	[tilespmem:s0], [sflag:$0x1] =	stream.indirect.gather [hbm4b:s24+s29], $0x100, s11, s29, $0xb8;
	[tilespmem:$0x1DA60] =	vst v63  }
0x4d: {  	_ =	swait.ge [sflag:s2], $0x50  }
0x4e: {  	[sflag:s2] =	ssyncset.done $0x0  }
0x4f: {  	[sflag:s2] =	ssyncadd.s32 $0xFFFFFFB0  }
0x50: {  	_ =	swait.ge [sflag:s2], $0x50  }
0x51: {  	[sflag:s2] =	ssyncset.done $0x0  }
0x52: {  	[sflag:s2] =	ssyncadd.s32 $0xFFFFFFB0  }
0x53: {  	_ =	swait.ge [sflag:s2], $0x50  }
0x54: {  	[sflag:s2] =	ssyncset.done $0x0  }
0x55: {  	s12 =	simm.s32 $0x0;
	[sflag:s2] =	ssyncadd.s32 $0xFFFFFFB0  }
.LBB2_6:
0x56: {  	_ =	swait.ge [sflag:s1], $0x5000  }
0x57: {  	[sflag:s1] =	ssyncset.done $0x0  }
0x58: {  	s14 =	simm.s32 $0x260;
	[sflag:s1] =	ssyncadd.s32 $0xFFFFB000  }
0x59: {  	[tilespmem:s9], [sflag:$0x1] =	stream.indirect.gather [hbm4b:s24+s29], $0x100, s29, s29, $0xb8;
	[tilespmem:$0x1DA60] =	vst v63  }
0x5a: {  	v0 =	vld [tilespmem:s14+$0xFFFFFFF0]  }
0x5b: {  	v12 =	vld [tilespmem:s14+$0x70]  }
0x5c: {  	v1 =	vld [tilespmem:s14+$0x60]  }
0x5d: {  	v2 =	vld [tilespmem:s14+$0x20]  }
0x5e: {  	v4 =	vld [tilespmem:s14+$0x10]  }
0x5f: {  	v3 =	vmov s11;
	v7 =	vld [tilespmem:s14+$0x30]  }
0x60: {  	v15 =	vld [tilespmem:s14+$0x50]  }
0x61: {  	v8 =	vld [tilespmem:s14+$0xFFFFFF80]  }
0x62: {  	v6 =	vld [tilespmem:s14+$0x0]  }
0x63: {  	v13 =	vld [tilespmem:s14+$0xFFFFFFA0]  }
0x64: {  	v3 =	vld.idx.msk [tilespmem:v3+s28+$0x0], $0xffff  }
0x65: {  	v5 =	vld [tilespmem:s14+$0xFFFFFFD0]  }
0x66: {  	v11 =	vld [tilespmem:s14+$0xFFFFFF90]  }
0x67: {  	v9 =	vld [tilespmem:s14+$0xFFFFFFB0]  }
0x68: {  	v10 =	vld [tilespmem:s14+$0x40]  }
0x69: {  	v14 =	vmul.f32 v8, v3;
	v8 =	vld [tilespmem:s14+$0xFFFFFFC0];
	v16 =	vmul.f32 v12, v3  }
0x6a: {  	s15 =	simm.s32 $0x1;
	s18 =	simm.s32 $0x260;
	v12 =	vmul.f32 v13, v3;
	v13 =	vld [tilespmem:s14+$0xFFFFFFE0];
	v15 =	vmul.f32 v15, v3  }
.LBB2_7:
0x6b: {  	p3 =	sne.s32 s15, $0x4F  }
0x6c: {  	v11 =	vmul.f32 v11, v3;
	v7 =	vmul.f32 v7, v3;
	[tilespmem:s14+$0x70] =	vst v16;
	s18 =	sadd.s32 $0x100, s18;
	s19 =	smov.u32 s15;
	s15 =	sadd.s32 $0x1, s15  }
0x6d: {  	v4 =	vmul.f32 v4, v3;
	[tilespmem:s14+$0xFFFFFF80] =	vst v14;
	v9 =	vmul.f32 v9, v3  }
0x6e: {  	v6 =	vmul.f32 v6, v3;
	v10 =	vmul.f32 v10, v3;
	[tilespmem:s14+$0x50] =	vst v15  }
0x6f: {  	v5 =	vmul.f32 v5, v3;
	v8 =	vmul.f32 v8, v3;
	[tilespmem:s14+$0x30] =	vst v7  }
0x70: {  	v7 =	vmul.f32 v13, v3;
	v13 =	vmul.f32 v0, v3;
	[tilespmem:s14+$0x10] =	vst v4  }
0x71: {  	v2 =	vmul.f32 v2, v3;
	v1 =	vmul.f32 v1, v3;
	[tilespmem:s14+$0xFFFFFFA0] =	vst v12  }
0x72: {  	[tilespmem:s14+$0x0] =	vst v6  }
0x73: {  	v0 =	vld [tilespmem:s18+$0xFFFFFFF0];
	[tilespmem:s14+$0xFFFFFFE0] =	vst v7  }
0x74: {  	v12 =	vld [tilespmem:s18+$0x70];
	[tilespmem:s14+$0x60] =	vst v1  }
0x75: {  	v1 =	vld [tilespmem:s18+$0x60];
	[tilespmem:s14+$0x20] =	vst v2  }
0x76: {  	v2 =	vld [tilespmem:s18+$0x20];
	[tilespmem:s14+$0xFFFFFFD0] =	vst v5  }
0x77: {  	v3 =	vmov s19;
	v4 =	vld [tilespmem:s18+$0x10];
	[tilespmem:s14+$0xFFFFFF90] =	vst v11  }
0x78: {  	v7 =	vld [tilespmem:s18+$0x30];
	[tilespmem:s14+$0xFFFFFFF0] =	vst v13  }
0x79: {  	v15 =	vld [tilespmem:s18+$0x50];
	[tilespmem:s14+$0x40] =	vst v10  }
0x7a: {  	v13 =	vld [tilespmem:s18+$0xFFFFFF80];
	[tilespmem:s14+$0xFFFFFFB0] =	vst v9  }
0x7b: {  	v6 =	vld [tilespmem:s18+$0x0];
	[tilespmem:s14+$0xFFFFFFC0] =	vst v8;
	s14 =	smov.u32 s18  }
0x7c: {  	v3 =	vld.idx.msk [tilespmem:v3+s28+$0x0], $0xffff  }
0x7d: {  	v17 =	vld [tilespmem:s18+$0xFFFFFFA0]  }
0x7e: {  	v5 =	vld [tilespmem:s18+$0xFFFFFFD0]  }
.Ltmp4:
0x7f: {  	v11 =	vld [tilespmem:s18+$0xFFFFFF90];
	(pc) =	sbr.rel @p3 .LBB2_7-.Ltmp4, $4  }
0x80: {  	v9 =	vld [tilespmem:s18+$0xFFFFFFB0]  }
0x81: {  	v10 =	vld [tilespmem:s18+$0x40]  }
0x82: {  	v14 =	vmul.f32 v13, v3;
	v16 =	vmul.f32 v12, v3;
	v8 =	vld [tilespmem:s18+$0xFFFFFFC0]  }
0x83: {  	v15 =	vmul.f32 v15, v3;
	v12 =	vmul.f32 v17, v3;
	v13 =	vld [tilespmem:s18+$0xFFFFFFE0]  }
0x84: {  	[tilespmem:s14+$0x70] =	vst v16  }
0x85: {  	[tilespmem:s14+$0xFFFFFF80] =	vst v14  }
0x86: {  	v7 =	vmul.f32 v7, v3;
	[tilespmem:s14+$0x50] =	vst v15  }
0x87: {  	v4 =	vmul.f32 v4, v3;
	[tilespmem:s14+$0xFFFFFFA0] =	vst v12  }
0x88: {  	v6 =	vmul.f32 v6, v3;
	[tilespmem:s14+$0x30] =	vst v7  }
0x89: {  	v1 =	vmul.f32 v1, v3;
	[tilespmem:s14+$0x10] =	vst v4  }
0x8a: {  	v2 =	vmul.f32 v2, v3;
	[tilespmem:s14+$0x0] =	vst v6  }
0x8b: {  	v0 =	vmul.f32 v0, v3;
	[tilespmem:s14+$0x60] =	vst v1  }
0x8c: {  	v1 =	vmul.f32 v11, v3;
	[tilespmem:s14+$0x20] =	vst v2  }
0x8d: {  	v2 =	vmul.f32 v10, v3;
	[tilespmem:s14+$0xFFFFFFF0] =	vst v0  }
0x8e: {  	v0 =	vmul.f32 v8, v3;
	[tilespmem:s14+$0xFFFFFF90] =	vst v1  }
0x8f: {  	v4 =	vmul.f32 v13, v3;
	[tilespmem:s14+$0x40] =	vst v2  }
0x90: {  	v1 =	vmul.f32 v9, v3;
	[tilespmem:s14+$0xFFFFFFC0] =	vst v0  }
0x91: {  	[tilespmem:s14+$0xFFFFFFE0] =	vst v4;
	v4 =	vmul.f32 v5, v3  }
0x92: {  	[tilespmem:s14+$0xFFFFFFB0] =	vst v1  }
0x93: {  	[tilespmem:s14+$0xFFFFFFD0] =	vst v4;
	s14 =	smul.u32 $0xA0, s12  }
0x94: {  	[spmem:s5] =	stream.indirect.scatter.add.f32 [tilespmem:s0], [sflag:$0x3], $0x100, s26, s29, $0xb8;
	[tilespmem:$0x1DA60] =	vst v63  }
0x95: {  	_ =	swait.ge [sflag:s25], $0x5000;
	s15 =	sadd.s32 s14, s21  }
0x96: {  	[sflag:s25] =	ssyncset.done $0x0;
	s15 =	sshrl.u32 s15, $0x3  }
0x97: {  	s19 =	simm.s32 $0x0;
	[sflag:s25] =	ssyncadd.s32 $0xFFFFB000;
	s18 =	sadd.s32 s20, s15  }
0x98: {  	[tilespmem:s19], [sflag:$0x2] =	stream.linear.gather [hbm4b:s18+s19], $0x50, $0x38;
	[tilespmem:$0x1DA60] =	vst v63  }
0x99: {  	s23 =	sadd.s32 s3, s15  }
0x9a: {  	[tilespmem:s26], [sflag:$0x2] =	stream.linear.gather [hbm4b:s23+s19], $0x50, $0x38;
	[tilespmem:$0x1DA60] =	vst v63  }
0x9b: {  	s15 =	sadd.s32 s4, s15  }
0x9c: {  	[tilespmem:s28], [sflag:$0x2] =	stream.linear.gather [hbm4b:s15+s19], $0x50, $0x38;
	[tilespmem:$0x1DA60] =	vst v63  }
0x9d: {  	_ =	swait.ge [sflag:s1], $0x5000  }
0x9e: {  	[sflag:s1] =	ssyncset.done $0x0  }
0x9f: {  	[sflag:s1] =	ssyncadd.s32 $0xFFFFB000  }
0xa0: {  	_ =	swait.ge [sflag:s2], $0x50  }
0xa1: {  	[sflag:s2] =	ssyncset.done $0x0  }
0xa2: {  	[sflag:s2] =	ssyncadd.s32 $0xFFFFFFB0  }
0xa3: {  	_ =	swait.ge [sflag:s2], $0x50  }
0xa4: {  	[sflag:s2] =	ssyncset.done $0x0  }
0xa5: {  	[sflag:s2] =	ssyncadd.s32 $0xFFFFFFB0  }
0xa6: {  	_ =	swait.ge [sflag:s2], $0x50  }
0xa7: {  	[sflag:s2] =	ssyncset.done $0x0  }
0xa8: {  	s15 =	simm.s32 $0x5260;
	[sflag:s2] =	ssyncadd.s32 $0xFFFFFFB0  }
0xa9: {  	[tilespmem:s0], [sflag:$0x1] =	stream.indirect.gather [hbm4b:s24+s29], $0x100, s19, s29, $0xb8;
	[tilespmem:$0x1DA60] =	vst v63  }
0xaa: {  	v0 =	vld [tilespmem:s15+$0xFFFFFFF0]  }
0xab: {  	v12 =	vld [tilespmem:s15+$0x70]  }
0xac: {  	v1 =	vld [tilespmem:s15+$0x60]  }
0xad: {  	v2 =	vld [tilespmem:s15+$0x20]  }
0xae: {  	v3 =	vmov s19;
	v4 =	vld [tilespmem:s15+$0x10]  }
0xaf: {  	v7 =	vld [tilespmem:s15+$0x30]  }
0xb0: {  	v15 =	vld [tilespmem:s15+$0x50]  }
0xb1: {  	v8 =	vld [tilespmem:s15+$0xFFFFFF80]  }
0xb2: {  	v6 =	vld [tilespmem:s15+$0x0]  }
0xb3: {  	v3 =	vld.idx.msk [tilespmem:v3+s31+$0x0], $0xffff  }
0xb4: {  	v13 =	vld [tilespmem:s15+$0xFFFFFFA0]  }
0xb5: {  	v5 =	vld [tilespmem:s15+$0xFFFFFFD0]  }
0xb6: {  	v11 =	vld [tilespmem:s15+$0xFFFFFF90]  }
0xb7: {  	v9 =	vld [tilespmem:s15+$0xFFFFFFB0]  }
0xb8: {  	v10 =	vld [tilespmem:s15+$0x40]  }
0xb9: {  	v14 =	vmul.f32 v8, v3;
	v8 =	vld [tilespmem:s15+$0xFFFFFFC0];
	v16 =	vmul.f32 v12, v3  }
0xba: {  	s18 =	simm.s32 $0x1;
	s19 =	simm.s32 $0x5260;
	v12 =	vmul.f32 v13, v3;
	v13 =	vld [tilespmem:s15+$0xFFFFFFE0];
	v15 =	vmul.f32 v15, v3  }
.LBB2_9:
0xbb: {  	p3 =	sne.s32 s18, $0x4F  }
0xbc: {  	v11 =	vmul.f32 v11, v3;
	v7 =	vmul.f32 v7, v3;
	[tilespmem:s15+$0x70] =	vst v16;
	s19 =	sadd.s32 $0x100, s19;
	s23 =	smov.u32 s18;
	s18 =	sadd.s32 $0x1, s18  }
0xbd: {  	v4 =	vmul.f32 v4, v3;
	[tilespmem:s15+$0xFFFFFF80] =	vst v14;
	v9 =	vmul.f32 v9, v3  }
0xbe: {  	v6 =	vmul.f32 v6, v3;
	v10 =	vmul.f32 v10, v3;
	[tilespmem:s15+$0x50] =	vst v15  }
0xbf: {  	v5 =	vmul.f32 v5, v3;
	v8 =	vmul.f32 v8, v3;
	[tilespmem:s15+$0x30] =	vst v7  }
0xc0: {  	v7 =	vmul.f32 v13, v3;
	v13 =	vmul.f32 v0, v3;
	[tilespmem:s15+$0x10] =	vst v4  }
0xc1: {  	v2 =	vmul.f32 v2, v3;
	v1 =	vmul.f32 v1, v3;
	[tilespmem:s15+$0xFFFFFFA0] =	vst v12  }
0xc2: {  	[tilespmem:s15+$0x0] =	vst v6  }
0xc3: {  	v0 =	vld [tilespmem:s19+$0xFFFFFFF0];
	[tilespmem:s15+$0xFFFFFFE0] =	vst v7  }
0xc4: {  	v12 =	vld [tilespmem:s19+$0x70];
	[tilespmem:s15+$0x60] =	vst v1  }
0xc5: {  	v1 =	vld [tilespmem:s19+$0x60];
	[tilespmem:s15+$0x20] =	vst v2  }
0xc6: {  	v2 =	vld [tilespmem:s19+$0x20];
	[tilespmem:s15+$0xFFFFFFD0] =	vst v5  }
0xc7: {  	v3 =	vmov s23;
	v4 =	vld [tilespmem:s19+$0x10];
	[tilespmem:s15+$0xFFFFFF90] =	vst v11  }
0xc8: {  	v7 =	vld [tilespmem:s19+$0x30];
	[tilespmem:s15+$0xFFFFFFF0] =	vst v13  }
0xc9: {  	v15 =	vld [tilespmem:s19+$0x50];
	[tilespmem:s15+$0x40] =	vst v10  }
0xca: {  	v13 =	vld [tilespmem:s19+$0xFFFFFF80];
	[tilespmem:s15+$0xFFFFFFB0] =	vst v9  }
0xcb: {  	v6 =	vld [tilespmem:s19+$0x0];
	[tilespmem:s15+$0xFFFFFFC0] =	vst v8;
	s15 =	smov.u32 s19  }
0xcc: {  	v3 =	vld.idx.msk [tilespmem:v3+s31+$0x0], $0xffff  }
0xcd: {  	v17 =	vld [tilespmem:s19+$0xFFFFFFA0]  }
0xce: {  	v5 =	vld [tilespmem:s19+$0xFFFFFFD0]  }
.Ltmp5:
0xcf: {  	v11 =	vld [tilespmem:s19+$0xFFFFFF90];
	(pc) =	sbr.rel @p3 .LBB2_9-.Ltmp5, $4  }
0xd0: {  	v9 =	vld [tilespmem:s19+$0xFFFFFFB0]  }
0xd1: {  	v10 =	vld [tilespmem:s19+$0x40]  }
0xd2: {  	v14 =	vmul.f32 v13, v3;
	v16 =	vmul.f32 v12, v3;
	v8 =	vld [tilespmem:s19+$0xFFFFFFC0]  }
0xd3: {  	v15 =	vmul.f32 v15, v3;
	v12 =	vmul.f32 v17, v3;
	v13 =	vld [tilespmem:s19+$0xFFFFFFE0]  }
0xd4: {  	[tilespmem:s15+$0x70] =	vst v16  }
0xd5: {  	[tilespmem:s15+$0xFFFFFF80] =	vst v14  }
0xd6: {  	v7 =	vmul.f32 v7, v3;
	[tilespmem:s15+$0x50] =	vst v15  }
0xd7: {  	v4 =	vmul.f32 v4, v3;
	[tilespmem:s15+$0xFFFFFFA0] =	vst v12  }
0xd8: {  	v6 =	vmul.f32 v6, v3;
	[tilespmem:s15+$0x30] =	vst v7  }
0xd9: {  	v1 =	vmul.f32 v1, v3;
	[tilespmem:s15+$0x10] =	vst v4  }
0xda: {  	v2 =	vmul.f32 v2, v3;
	[tilespmem:s15+$0x0] =	vst v6  }
0xdb: {  	v59 =	vmul.f32 v5, v3;
	[tilespmem:s15+$0x60] =	vst v1  }
0xdc: {  	v60 =	vmul.f32 v11, v3;
	[tilespmem:s15+$0x20] =	vst v2  }
0xdd: {  	v0 =	vmul.f32 v0, v3;
	[tilespmem:s15+$0xFFFFFFD0] =	vst v59  }
0xde: {  	v62 =	vmul.f32 v9, v3;
	[tilespmem:s15+$0xFFFFFF90] =	vst v60  }
0xdf: {  	v61 =	vmul.f32 v10, v3;
	[tilespmem:s15+$0xFFFFFFF0] =	vst v0  }
0xe0: {  	v63 =	vmul.f32 v8, v3;
	[tilespmem:s15+$0xFFFFFFB0] =	vst v62  }
0xe1: {  	v58 =	vmul.f32 v13, v3;
	[tilespmem:s15+$0x40] =	vst v61  }
0xe2: {  	p3 =	seq.s32 s12, $0x3D;
	[tilespmem:s15+$0xFFFFFFC0] =	vst v63  }
.Ltmp6:
0xe3: {  	[tilespmem:s15+$0xFFFFFFE0] =	vst v58;
	(pc) =	sbr.rel @p3 .LBB2_12-.Ltmp6, $4  }
0xe4: {  	[spmem:s5] =	stream.indirect.scatter.add.f32 [tilespmem:s9], [sflag:$0x3], $0x100, s30, s29, $0xb8;
	[tilespmem:$0x1DA60] =	vst v63  }
0xe5: {  	_ =	swait.ge [sflag:s25], $0x5000  }
0xe6: {  	[sflag:s25] =	ssyncset.done $0x0  }
0xe7: {  	[sflag:s25] =	ssyncadd.s32 $0xFFFFB000  }
0xe8: {  	s14 =	sadd.s32 s14, s22  }
0xe9: {  	s14 =	sshrl.u32 s14, $0x3  }
0xea: {  	s15 =	sadd.s32 s20, s14  }
0xeb: {  	[tilespmem:s29], [sflag:$0x2] =	stream.linear.gather [hbm4b:s15+s6], $0x50, $0x38;
	[tilespmem:$0x1DA60] =	vst v63  }
0xec: {  	s23 =	sadd.s32 s3, s14  }
0xed: {  	[tilespmem:s30], [sflag:$0x2] =	stream.linear.gather [hbm4b:s23+s6], $0x50, $0x38;
	[tilespmem:$0x1DA60] =	vst v63  }
0xee: {  	s14 =	sadd.s32 s4, s14  }
0xef: {  	[tilespmem:s31], [sflag:$0x2] =	stream.linear.gather [hbm4b:s14+s6], $0x50, $0x38;
	[tilespmem:$0x1DA60] =	vst v63  }
0xf0: {  	_ =	swait.ge [sflag:s2], $0x50  }
0xf1: {  	[sflag:s2] =	ssyncset.done $0x0  }
0xf2: {  	[sflag:s2] =	ssyncadd.s32 $0xFFFFFFB0  }
0xf3: {  	_ =	swait.ge [sflag:s2], $0x50  }
.Ltmp7:
0xf4: {  	[sflag:s2] =	ssyncset.done $0x0;
	(pc) =	sbr.rel .LBB2_6-.Ltmp7, $4  }
0xf5: {  	[sflag:s2] =	ssyncadd.s32 $0xFFFFFFB0  }
0xf6: {  	_ =	swait.ge [sflag:s2], $0x50  }
0xf7: {  	[sflag:s2] =	ssyncset.done $0x0  }
0xf8: {  	s12 =	sadd.s32 $0x1, s12;
	[sflag:s2] =	ssyncadd.s32 $0xFFFFFFB0  }
.LBB2_12:
0xf9: {  	_ =	swait.ge [sflag:s1], $0x5000  }
0xfa: {  	[sflag:s1] =	ssyncset.done $0x0  }
0xfb: {  	s11 =	simm.s32 $0x260;
	[sflag:s1] =	ssyncadd.s32 $0xFFFFB000  }
0xfc: {  	v0 =	vld [tilespmem:s11+$0xFFFFFFF0]  }
0xfd: {  	v12 =	vld [tilespmem:s11+$0x70]  }
0xfe: {  	v1 =	vld [tilespmem:s11+$0x60]  }
0xff: {  	v2 =	vld [tilespmem:s11+$0x20]  }
0x100: {  	s12 =	simm.s32 $0x0;
	v4 =	vld [tilespmem:s11+$0x10]  }
0x101: {  	v3 =	vmov s12;
	v7 =	vld [tilespmem:s11+$0x30]  }
0x102: {  	v15 =	vld [tilespmem:s11+$0x50]  }
0x103: {  	v8 =	vld [tilespmem:s11+$0xFFFFFF80]  }
0x104: {  	v6 =	vld [tilespmem:s11+$0x0]  }
0x105: {  	v13 =	vld [tilespmem:s11+$0xFFFFFFA0]  }
0x106: {  	v3 =	vld.idx.msk [tilespmem:v3+s28+$0x0], $0xffff  }
0x107: {  	v5 =	vld [tilespmem:s11+$0xFFFFFFD0]  }
0x108: {  	v11 =	vld [tilespmem:s11+$0xFFFFFF90]  }
0x109: {  	v9 =	vld [tilespmem:s11+$0xFFFFFFB0]  }
0x10a: {  	v10 =	vld [tilespmem:s11+$0x40]  }
0x10b: {  	v14 =	vmul.f32 v8, v3;
	v8 =	vld [tilespmem:s11+$0xFFFFFFC0];
	v16 =	vmul.f32 v12, v3  }
0x10c: {  	s14 =	simm.s32 $0x260;
	s12 =	simm.s32 $0x1;
	v12 =	vmul.f32 v13, v3;
	v13 =	vld [tilespmem:s11+$0xFFFFFFE0];
	v15 =	vmul.f32 v15, v3  }
.LBB2_13:
0x10d: {  	p3 =	sne.s32 s12, $0x4F  }
0x10e: {  	v11 =	vmul.f32 v11, v3;
	v7 =	vmul.f32 v7, v3;
	[tilespmem:s11+$0x70] =	vst v16;
	s14 =	sadd.s32 $0x100, s14;
	s15 =	smov.u32 s12;
	s12 =	sadd.s32 $0x1, s12  }
0x10f: {  	v4 =	vmul.f32 v4, v3;
	[tilespmem:s11+$0xFFFFFF80] =	vst v14;
	v9 =	vmul.f32 v9, v3  }
0x110: {  	v6 =	vmul.f32 v6, v3;
	v10 =	vmul.f32 v10, v3;
	[tilespmem:s11+$0x50] =	vst v15  }
0x111: {  	v5 =	vmul.f32 v5, v3;
	v8 =	vmul.f32 v8, v3;
	[tilespmem:s11+$0x30] =	vst v7  }
0x112: {  	v7 =	vmul.f32 v13, v3;
	v13 =	vmul.f32 v0, v3;
	[tilespmem:s11+$0x10] =	vst v4  }
0x113: {  	v2 =	vmul.f32 v2, v3;
	v1 =	vmul.f32 v1, v3;
	[tilespmem:s11+$0xFFFFFFA0] =	vst v12  }
0x114: {  	[tilespmem:s11+$0x0] =	vst v6  }
0x115: {  	v0 =	vld [tilespmem:s14+$0xFFFFFFF0];
	[tilespmem:s11+$0xFFFFFFE0] =	vst v7  }
0x116: {  	v12 =	vld [tilespmem:s14+$0x70];
	[tilespmem:s11+$0x60] =	vst v1  }
0x117: {  	v1 =	vld [tilespmem:s14+$0x60];
	[tilespmem:s11+$0x20] =	vst v2  }
0x118: {  	v2 =	vld [tilespmem:s14+$0x20];
	[tilespmem:s11+$0xFFFFFFD0] =	vst v5  }
0x119: {  	v3 =	vmov s15;
	v4 =	vld [tilespmem:s14+$0x10];
	[tilespmem:s11+$0xFFFFFF90] =	vst v11  }
0x11a: {  	v7 =	vld [tilespmem:s14+$0x30];
	[tilespmem:s11+$0xFFFFFFF0] =	vst v13  }
0x11b: {  	v15 =	vld [tilespmem:s14+$0x50];
	[tilespmem:s11+$0x40] =	vst v10  }
0x11c: {  	v13 =	vld [tilespmem:s14+$0xFFFFFF80];
	[tilespmem:s11+$0xFFFFFFB0] =	vst v9  }
0x11d: {  	v6 =	vld [tilespmem:s14+$0x0];
	[tilespmem:s11+$0xFFFFFFC0] =	vst v8;
	s11 =	smov.u32 s14  }
0x11e: {  	v3 =	vld.idx.msk [tilespmem:v3+s28+$0x0], $0xffff  }
0x11f: {  	v17 =	vld [tilespmem:s14+$0xFFFFFFA0]  }
0x120: {  	v5 =	vld [tilespmem:s14+$0xFFFFFFD0]  }
.Ltmp8:
0x121: {  	v11 =	vld [tilespmem:s14+$0xFFFFFF90];
	(pc) =	sbr.rel @p3 .LBB2_13-.Ltmp8, $4  }
0x122: {  	v9 =	vld [tilespmem:s14+$0xFFFFFFB0]  }
0x123: {  	v10 =	vld [tilespmem:s14+$0x40]  }
0x124: {  	v14 =	vmul.f32 v13, v3;
	v16 =	vmul.f32 v12, v3;
	v8 =	vld [tilespmem:s14+$0xFFFFFFC0]  }
0x125: {  	v15 =	vmul.f32 v15, v3;
	v12 =	vmul.f32 v17, v3;
	v13 =	vld [tilespmem:s14+$0xFFFFFFE0]  }
0x126: {  	[tilespmem:s11+$0x70] =	vst v16  }
0x127: {  	[tilespmem:s11+$0xFFFFFF80] =	vst v14  }
0x128: {  	v7 =	vmul.f32 v7, v3;
	[tilespmem:s11+$0x50] =	vst v15  }
0x129: {  	v4 =	vmul.f32 v4, v3;
	[tilespmem:s11+$0xFFFFFFA0] =	vst v12  }
0x12a: {  	v6 =	vmul.f32 v6, v3;
	[tilespmem:s11+$0x30] =	vst v7  }
0x12b: {  	v1 =	vmul.f32 v1, v3;
	[tilespmem:s11+$0x10] =	vst v4  }
0x12c: {  	v2 =	vmul.f32 v2, v3;
	[tilespmem:s11+$0x0] =	vst v6  }
0x12d: {  	v59 =	vmul.f32 v5, v3;
	[tilespmem:s11+$0x60] =	vst v1  }
0x12e: {  	v60 =	vmul.f32 v11, v3;
	[tilespmem:s11+$0x20] =	vst v2  }
0x12f: {  	v0 =	vmul.f32 v0, v3;
	[tilespmem:s11+$0xFFFFFFD0] =	vst v59  }
0x130: {  	v62 =	vmul.f32 v9, v3;
	[tilespmem:s11+$0xFFFFFF90] =	vst v60  }
0x131: {  	v61 =	vmul.f32 v10, v3;
	[tilespmem:s11+$0xFFFFFFF0] =	vst v0  }
0x132: {  	v63 =	vmul.f32 v8, v3;
	[tilespmem:s11+$0xFFFFFFB0] =	vst v62  }
0x133: {  	v58 =	vmul.f32 v13, v3;
	[tilespmem:s11+$0x40] =	vst v61  }
0x134: {  	[tilespmem:s11+$0xFFFFFFC0] =	vst v63  }
0x135: {  	[tilespmem:s11+$0xFFFFFFE0] =	vst v58  }
0x136: {  	[spmem:s5] =	stream.indirect.scatter.add.f32 [tilespmem:s0], [sflag:$0x3], $0x100, s26, s29, $0xb8;
	[tilespmem:$0x1DA60] =	vst v63  }
0x137: {  	_ =	swait.ge [sflag:s25], $0x5000  }
0x138: {  	[sflag:s25] =	ssyncset.done $0x0  }
0x139: {  	[sflag:s25] =	ssyncadd.s32 $0xFFFFB000  }
0x13a: {  	[bflag:$0x0] =	sbarrier.arrive $0xFFFF  }
0x13b: {  	s7 =	sor.u32 $0x1C03, s7;
	s19 =	rddreg [dreg:$0xd]  }
0x13c: {  	[hbm:s19], [sflag:s7] =	dma.local [spmem:s8], $0x2700  }
0x13d: {  	_ =	swait.ge [sflag:s25], $0x2700  }
0x13e: {  	[sflag:s25] =	ssyncset.done $0x0  }
0x13f: {  	s8 =	sshrl.u32 @!p0 s10, $0x3;
	s11 =	rddreg [dreg:$0xe];
	[sflag:s25] =	ssyncadd.s32 $0xFFFFD900  }
0x140: {  	[hbm:s11], [sflag:s7] =	dma.local @!p0 [spmem:s8], $0x100  }
0x141: {  	s7 =	simm.s32 @!p0 $0x3  }
0x142: {  	_ =	swait.ge @!p0 [sflag:s7], $0x100  }
0x143: {  	s13 =	sadd.s32 $0x1, s13;
	s23 =	rddreg [dreg:$0xf]  }
0x144: {  	p3 =	sne.s32 s13, s23  }
.Ltmp9:
0x145: {  	_ = 	snop;
	(pc) =	sbr.rel @p3 .LBB2_1-.Ltmp9, $3  }
0x146: {  	_ =	sdelay $0x1  }
0x147: {  	[sflag:s7] =	ssyncset.done @!p0 $0x0  }
0x148: {  	[sflag:s7] =	ssyncadd.s32 @!p0 $0xFFFFFF00  }
0x149: {  	_ =	sfence.sel $0x180000  }
0x14a: {  	[bflag:$0x0] =	sbarrier.arrive $0xFFFF  }
0x14b: {  	_ =	strace $0x90000047  }
0x14c: {  	[bflag:$0x2] =	sbarrier.arrive $0xFFFF  }
0x14d: {  	s0 =	rddreg [dreg:$0x7]  }
0x14e: {  	s0 =	sadd.s32 @!p0 $0x100000, s0  }
0x14f: {  	[sflag:s0] =	ssyncadd.tile.s32 @!p0 $0x1;
	_ =	shalt  }
.Lfunc_end2:
_tile_overlayer_lowered:
.L_overlay_start_2:
0x150: {  	(tag) =	ssettag $0x2  }
0x151: {  	s0 =	rddreg [dreg:$0x0];
	s2 =	stileid.u32  }
0x152: {  	s1 =	rddreg [dreg:$0x1];
	p0 =	sne.s32 s2, $0x0  }
0x153: {  	s3 =	rddreg [dreg:$0x2];
	[bflag:$0x3] =	sbarrier.arrive $0xFFFF;
	s2 =	simm.s32 @!p0 $0x1C03  }
0x154: {  	[timem:s3], [sflag:s2] =	dma.local @!p0 [hbm:s0], s1  }
0x155: {  	s0 =	simm.s32 @!p0 $0x3  }
0x156: {  	_ =	swait.ge @!p0 [sflag:s0], s1  }
0x157: {  	s1 =	ssub.s32 @!p0 $0x0, s1;
	[sflag:s0] =	ssyncset.done @!p0 $0x0  }
0x158: {  	[sflag:s0] =	ssyncadd.s32 @!p0 s1  }
0x159: {  	[bflag:$0x3] =	sbarrier.arrive $0xFFFF  }
0x15a: {  	_ =	shalt  }

</sc_bundles>
